<compile_context>
chip_gen: v7x
topology: tpu7x:2x2x1
jax: 0.10.2.dev20260603
libtpu: 0.0.44.dev20260713+nightly
codegen_flags: <defaults>
</compile_context>

<pallas_src>
import functools

import jax
import jax.numpy as jnp
from jax import lax
from jax.experimental import pallas as pl
from jax.experimental.pallas import tpu as pltpu
from jax.experimental.pallas import tpu_sc as plsc

N = 10000
D = 128
E = 320000

NC = 2
NS = 16
NW = NC * NS
CHUNK = 64
CPW = 160
IB = 16
NOUTER = CPW // IB
E_PAD = NW * CPW * CHUNK
ROWS_PAD = 10112
RPS = ROWS_PAD // NS

_mesh = plsc.VectorSubcoreMesh(core_axis_name="c", subcore_axis_name="s")


def _sc_agg_body(nbuf, x_hbm, src_hbm, dst_hbm, z_hbm, agg_out,
                 spmem_agg, ring_s, ring_d, rows, gsem, ssem):
    c = lax.axis_index("c")
    s = lax.axis_index("s")
    w = c * NS + s
    base = w * CPW

    def g_copy(om, j, b):
        return pltpu.make_async_copy(
            x_hbm.at[ring_s.at[om, j]], rows.at[b], gsem)

    def s_copy(om, j, b):
        return pltpu.make_async_copy(
            rows.at[b], spmem_agg.at[ring_d.at[om, j]], ssem)

    pltpu.sync_copy(z_hbm, spmem_agg.at[pl.ds(s * RPS, RPS)])
    pltpu.sync_copy(src_hbm.at[pl.ds(base, IB)], ring_s.at[0])
    pltpu.sync_copy(dst_hbm.at[pl.ds(base, IB)], ring_d.at[0])
    plsc.subcore_barrier()

    for t in range(nbuf - 1):
        g_copy(0, t, t).start()

    def outer(o, carry):
        om = lax.rem(o, 2)

        def inner(j, carry2):
            i = o * IB + j
            b = lax.rem(i, nbuf)
            g_copy(om, j, b).wait()
            pltpu.async_copy(rows.at[b], spmem_agg.at[ring_d.at[om, j]],
                             ssem, add=True)

            @pl.when(j >= 1)
            def _():
                s_copy(om, j, b).wait()

            @pl.when(j < IB - (nbuf - 1))
            def _():
                g_copy(om, j + nbuf - 1,
                       lax.rem(i + nbuf - 1, nbuf)).start()

            return carry2

        lax.fori_loop(0, IB, inner, 0)

        @pl.when(o < NOUTER - 1)
        def _():
            s_copy(om, IB - 1, lax.rem(o * IB + IB - 1, nbuf)).wait()
            om1 = lax.rem(o + 1, 2)
            pltpu.sync_copy(src_hbm.at[pl.ds(base + (o + 1) * IB, IB)],
                            ring_s.at[om1])
            pltpu.sync_copy(dst_hbm.at[pl.ds(base + (o + 1) * IB, IB)],
                            ring_d.at[om1])
            for t in range(nbuf - 1):
                g_copy(om1, t, lax.rem((o + 1) * IB + t, nbuf)).start()

        return carry

    lax.fori_loop(0, NOUTER, outer, 0)
    s_copy((NOUTER - 1) % 2, IB - 1, (CPW - 1) % nbuf).wait()
    plsc.subcore_barrier()

    pltpu.sync_copy(spmem_agg.at[pl.ds(s * RPS, RPS)],
                    agg_out.at[c, pl.ds(s * RPS, RPS), :])


_sc_agg = pl.kernel(
    functools.partial(_sc_agg_body, 4),
    mesh=_mesh,
    out_type=jax.ShapeDtypeStruct((NC, ROWS_PAD, D), jnp.float32),
    scratch_types=[
        pltpu.VMEM_SHARED((ROWS_PAD, D), jnp.float32),
        pltpu.VMEM((2, IB, CHUNK), jnp.int32),
        pltpu.VMEM((2, IB, CHUNK), jnp.int32),
        pltpu.VMEM((4, CHUNK, D), jnp.float32),
        pltpu.SemaphoreType.DMA,
        pltpu.SemaphoreType.DMA,
    ],
)


CHUNK_D = 128
CPW_D = E_PAD // (NW * CHUNK_D)
IB_D = 16
NOUTER_D = CPW_D // IB_D


def _sc_deg_body(dst_hbm, z_hbm, ones_hbm, deg_out,
                 spmem_deg, ring_d, ones_v, ssem):
    c = lax.axis_index("c")
    s = lax.axis_index("s")
    w = c * NS + s
    base = w * CPW_D

    def s_copy(om, j):
        return pltpu.make_async_copy(
            ones_v, spmem_deg.at[ring_d.at[om, j]], ssem)

    pltpu.sync_copy(z_hbm, spmem_deg.at[pl.ds(s * RPS, RPS)])
    pltpu.sync_copy(ones_hbm, ones_v)
    pltpu.sync_copy(dst_hbm.at[pl.ds(base, IB_D)], ring_d.at[0])
    plsc.subcore_barrier()

    def outer(o, carry):
        om = lax.rem(o, 2)

        def inner(j, carry2):
            i = o * IB_D + j
            pltpu.async_copy(ones_v, spmem_deg.at[ring_d.at[om, j]],
                             ssem, add=True)

            @pl.when(i >= 4)
            def _():
                s_copy(om, j).wait()

            return carry2

        lax.fori_loop(0, IB_D, inner, 0)

        @pl.when(o < NOUTER_D - 1)
        def _():
            pltpu.sync_copy(
                dst_hbm.at[pl.ds(base + (o + 1) * IB_D, IB_D)],
                ring_d.at[lax.rem(o + 1, 2)])

        return carry

    lax.fori_loop(0, NOUTER_D, outer, 0)
    for _ in range(4):
        s_copy(0, 0).wait()
    plsc.subcore_barrier()

    pltpu.sync_copy(spmem_deg.at[pl.ds(s * RPS, RPS)],
                    deg_out.at[c, pl.ds(s * RPS, RPS), :])


_sc_deg = pl.kernel(
    _sc_deg_body,
    mesh=_mesh,
    out_type=jax.ShapeDtypeStruct((NC, ROWS_PAD, D), jnp.float32),
    scratch_types=[
        pltpu.VMEM_SHARED((ROWS_PAD, D), jnp.float32),
        pltpu.VMEM((2, IB_D, CHUNK_D), jnp.int32),
        pltpu.VMEM((CHUNK_D, D), jnp.float32),
        pltpu.SemaphoreType.DMA,
    ],
)


_TC_R = 1000


def _tc_layer_body(relu, h_ref, p0_ref, p1_ref, d0_ref, d1_ref,
                   ws_ref, wn_ref, b_ref, o_ref):
    deg = d0_ref[0][:, 0:1] + d1_ref[0][:, 0:1]
    hn = (p0_ref[0] + p1_ref[0]) * (1.0 / jnp.maximum(deg, 1.0))
    acc = jnp.dot(h_ref[...], ws_ref[...], preferred_element_type=jnp.float32)
    acc = acc + jnp.dot(hn, wn_ref[...], preferred_element_type=jnp.float32)
    acc = acc + b_ref[...]
    o_ref[...] = jnp.maximum(acc, 0.0) if relu else acc


def _tc_layer(relu, h, agg, degp, Ws, Wn, b):
    return pl.pallas_call(
        functools.partial(_tc_layer_body, relu),
        grid=(N // _TC_R,),
        in_specs=[
            pl.BlockSpec((_TC_R, D), lambda i: (i, 0)),
            pl.BlockSpec((1, _TC_R, D), lambda i: (0, i, 0)),
            pl.BlockSpec((1, _TC_R, D), lambda i: (1, i, 0)),
            pl.BlockSpec((1, _TC_R, D), lambda i: (0, i, 0)),
            pl.BlockSpec((1, _TC_R, D), lambda i: (1, i, 0)),
            pl.BlockSpec((D, D), lambda i: (0, 0)),
            pl.BlockSpec((D, D), lambda i: (0, 0)),
            pl.BlockSpec((1, D), lambda i: (0, 0)),
        ],
        out_specs=pl.BlockSpec((_TC_R, D), lambda i: (i, 0)),
        out_shape=jax.ShapeDtypeStruct((N, D), jnp.float32),
    )(h, agg, agg, degp, degp, Ws, Wn, b)


def kernel(features, edge_index, W_self0, W_neigh0, b0, W_self1, W_neigh1, b1):
    src = edge_index[0]
    dst = edge_index[1]
    pad = E_PAD - E
    ar = jnp.arange(pad, dtype=jnp.int32)
    src_p = jnp.concatenate([src, (ar * 37) % N]).reshape(NW * CPW, CHUNK)
    dst_p = jnp.concatenate([dst, N + ar % (ROWS_PAD - N)]).reshape(
        NW * CPW, CHUNK)
    z128 = jnp.zeros((RPS, D), jnp.float32)
    ones128 = jnp.ones((CHUNK_D, D), jnp.float32)
    dst2_p = dst_p.reshape(NW * CPW_D, CHUNK_D)

    degp = _sc_deg(dst2_p, z128, ones128)
    aggA = _sc_agg(features, src_p, dst_p, z128)
    h1 = _tc_layer(True, features, aggA, degp, W_self0, W_neigh0,
                   b0.reshape(1, D))
    aggB = _sc_agg(h1, src_p, dst_p, z128)
    out = _tc_layer(False, h1, aggB, degp, W_self1, W_neigh1,
                    b1.reshape(1, D))
    return out

# --- scband reference (transcript-rebuilt; emitter-appended) ---
"""Pipeline reference for scband-sage-52381421142170 (READ-ONLY COPY).

The authoritative reference and input builder live on the scoring server;
editing this copy changes nothing except your own understanding.
"""

import jax, jax.numpy as jnp
import numpy as np

N = 10000
E = 320000
D_IN = 128
D_HID = 128
D_OUT = 128


def setup_inputs(seed: int = 0) -> dict:
    key = jax.random.key(seed)
    ks = jax.random.split(key, 9)
    x = jax.random.normal(ks[0], (N, D_IN), dtype=jnp.float32)
    edge_index = jax.random.randint(ks[1], (2, E), 0, N, dtype=jnp.int32)
    s0 = 1.0 / np.sqrt(D_IN)
    s1 = 1.0 / np.sqrt(D_HID)
    W_self0 = jax.random.normal(ks[2], (D_IN, D_HID), dtype=jnp.float32) * s0
    W_neigh0 = jax.random.normal(ks[3], (D_IN, D_HID), dtype=jnp.float32) * s0
    b0 = jnp.zeros((D_HID,), dtype=jnp.float32)
    W_self1 = jax.random.normal(ks[4], (D_HID, D_OUT), dtype=jnp.float32) * s1
    W_neigh1 = jax.random.normal(ks[5], (D_HID, D_OUT), dtype=jnp.float32) * s1
    b1 = jnp.zeros((D_OUT,), dtype=jnp.float32)
    return {"features": x, "edge_index": edge_index,
            "W_self0": W_self0, "W_neigh0": W_neigh0, "b0": b0,
            "W_self1": W_self1, "W_neigh1": W_neigh1, "b1": b1}


def _sage_conv(h, src, dst, W_self, W_neigh, b):
    # DGL SAGEConv with 'mean' aggregator:
    #   h_neigh[v] = mean_{u in N_in(v)} h[u]  (0 if no in-edges)
    #   out = h @ W_self + h_neigh @ W_neigh + b
    msg = jnp.take(h, src, axis=0)                                   # gather over edges
    agg = jax.ops.segment_sum(msg, dst, num_segments=N)              # scatter-add by dst
    deg = jax.ops.segment_sum(jnp.ones((src.shape[0],), jnp.float32), dst, num_segments=N)
    h_neigh = agg / jnp.maximum(deg, 1.0)[:, None]
    return h @ W_self + h_neigh @ W_neigh + b


def reference(features, edge_index, W_self0, W_neigh0, b0, W_self1, W_neigh1, b1):
    src = edge_index[0]
    dst = edge_index[1]
    h = _sage_conv(features, src, dst, W_self0, W_neigh0, b0)
    h = jax.nn.relu(h)           # activation on layer 0
    # dropout p=0.0 -> identity
    h = _sage_conv(h, src, dst, W_self1, W_neigh1, b1)  # last layer, no activation
    return h

if __name__ == "__main__":
    import jax
    _d = setup_inputs()
    print(jax.jit(kernel)(*tuple(_d.values())))

</pallas_src>

<mosaic_0001>
#map = affine_map<(d0, d1) -> (0, 0)>
#map1 = affine_map<(d0, d1) -> (0, 0, 0)>
module attributes {stable_mosaic.version = 14 : i64} {
  func.func @_sc_deg_body(%arg0: i32, %arg1: i32, %arg2: memref<2560x128xi32, #tpu.memory_space<hbm>>, %arg3: memref<632x128xf32, #tpu.memory_space<hbm>>, %arg4: memref<128x128xf32, #tpu.memory_space<hbm>>, %arg5: memref<2x10112x128xf32, #tpu.memory_space<hbm>>, %arg6: memref<10112x128xf32, #tpu.memory_space<vmem_shared>>, %arg7: memref<2x16x128xi32, #tpu.memory_space<vmem>>, %arg8: memref<128x128xf32, #tpu.memory_space<vmem>>, %arg9: memref<!tpu.dma_semaphore, #tpu.memory_space<semaphore_mem>>) attributes {dimension_semantics = [#tpu.dimension_semantics<core_parallel>, #tpu.dimension_semantics<subcore_parallel>], iteration_bounds = array<i64: 2, 16>, scalar_prefetch = 0 : i64, scratch_operands = 4 : i64, tpu.core_type = #tpu.core_type<sc_vector_subcore>, window_params = [{transform_indices = #map}, {transform_indices = #map}, {transform_indices = #map}, {transform_indices = #map1}]} {
    %mul3A = arith.constant 16 : i32
    %mul3A_0 = arith.muli %arg0, %mul3A : i32
    %add3A = arith.addi %mul3A_0, %arg1 : i32
    %mul3A_1 = arith.constant 80 : i32
    %mul3A_2 = arith.muli %add3A, %mul3A_1 : i32
    %mul3A_3 = arith.constant 632 : i32
    %mul3A_4 = arith.muli %arg1, %mul3A_3 : i32
    "tpu.region"() ({
      %run_scoped3A_46 = tpu.sem_alloc : memref<!tpu.dma_semaphore, #tpu.memory_space<semaphore_mem>>
      %dma_start3A = arith.constant 0 : i32
      %dma_start3A_47 = tpu.memref_slice %arg6[%mul3A_4, %dma_start3A] : memref<10112x128xf32, #tpu.memory_space<vmem_shared>> -> memref<632x128xf32, #tpu.memory_space<vmem_shared>>
      tpu.enqueue_dma source(%arg3 : memref<632x128xf32, #tpu.memory_space<hbm>>) target(%dma_start3A_47 : memref<632x128xf32, #tpu.memory_space<vmem_shared>>) target_semaphore(%run_scoped3A_46 : memref<!tpu.dma_semaphore, #tpu.memory_space<semaphore_mem>>)
      %dma_wait3A_48 = arith.constant 0 : i32
      %dma_wait3A_49 = tpu.memref_slice %arg6[%mul3A_4, %dma_wait3A_48] : memref<10112x128xf32, #tpu.memory_space<vmem_shared>> -> memref<632x128xf32, #tpu.memory_space<vmem_shared>>
      tpu.wait_dma2 semaphore(%run_scoped3A_46 : memref<!tpu.dma_semaphore, #tpu.memory_space<semaphore_mem>>) src(%arg3 : memref<632x128xf32, #tpu.memory_space<hbm>>) dst(%dma_wait3A_49 : memref<632x128xf32, #tpu.memory_space<vmem_shared>>)
      tpu.yield
    }) : () -> ()
    "tpu.region"() ({
      %run_scoped3A_46 = tpu.sem_alloc : memref<!tpu.dma_semaphore, #tpu.memory_space<semaphore_mem>>
      tpu.enqueue_dma source(%arg4 : memref<128x128xf32, #tpu.memory_space<hbm>>) target(%arg8 : memref<128x128xf32, #tpu.memory_space<vmem>>) target_semaphore(%run_scoped3A_46 : memref<!tpu.dma_semaphore, #tpu.memory_space<semaphore_mem>>)
      tpu.wait_dma2 semaphore(%run_scoped3A_46 : memref<!tpu.dma_semaphore, #tpu.memory_space<semaphore_mem>>) src(%arg4 : memref<128x128xf32, #tpu.memory_space<hbm>>) dst(%arg8 : memref<128x128xf32, #tpu.memory_space<vmem>>)
      tpu.yield
    }) : () -> ()
    %run_scoped3A = arith.constant 0 : i32
    "tpu.region"() ({
      %run_scoped3A_46 = tpu.sem_alloc : memref<!tpu.dma_semaphore, #tpu.memory_space<semaphore_mem>>
      %dma_start3A = arith.constant 0 : i32
      %dma_start3A_47 = arith.constant 0 : i32
      %dma_start3A_48 = tpu.memref_slice %arg7[%run_scoped3A, %dma_start3A, %dma_start3A_47] : memref<2x16x128xi32, #tpu.memory_space<vmem>> -> memref<1x16x128xi32, #tpu.memory_space<vmem>>
      %dma_start3A_49 = tpu.memref_squeeze %dma_start3A_48 : memref<1x16x128xi32, #tpu.memory_space<vmem>> -> memref<16x128xi32, #tpu.memory_space<vmem>>
      %dma_start3A_50 = arith.constant 0 : i32
      %dma_start3A_51 = tpu.memref_slice %arg2[%mul3A_2, %dma_start3A_50] : memref<2560x128xi32, #tpu.memory_space<hbm>> -> memref<16x128xi32, #tpu.memory_space<hbm>>
      %dma_start3A_52 = arith.constant 0 : i32
      %dma_start3A_53 = arith.constant 0 : i32
      %dma_start3A_54 = tpu.memref_slice %arg7[%run_scoped3A, %dma_start3A_52, %dma_start3A_53] : memref<2x16x128xi32, #tpu.memory_space<vmem>> -> memref<1x16x128xi32, #tpu.memory_space<vmem>>
      %dma_start3A_55 = tpu.memref_squeeze %dma_start3A_54 : memref<1x16x128xi32, #tpu.memory_space<vmem>> -> memref<16x128xi32, #tpu.memory_space<vmem>>
      %dma_start3A_56 = arith.constant 0 : i32
      %dma_start3A_57 = tpu.memref_slice %arg2[%mul3A_2, %dma_start3A_56] : memref<2560x128xi32, #tpu.memory_space<hbm>> -> memref<16x128xi32, #tpu.memory_space<hbm>>
      tpu.enqueue_dma source(%dma_start3A_57 : memref<16x128xi32, #tpu.memory_space<hbm>>) target(%dma_start3A_55 : memref<16x128xi32, #tpu.memory_space<vmem>>) target_semaphore(%run_scoped3A_46 : memref<!tpu.dma_semaphore, #tpu.memory_space<semaphore_mem>>)
      %dma_wait3A_58 = arith.constant 0 : i32
      %dma_wait3A_59 = arith.constant 0 : i32
      %dma_wait3A_60 = tpu.memref_slice %arg7[%run_scoped3A, %dma_wait3A_58, %dma_wait3A_59] : memref<2x16x128xi32, #tpu.memory_space<vmem>> -> memref<1x16x128xi32, #tpu.memory_space<vmem>>
      %dma_wait3A_61 = tpu.memref_squeeze %dma_wait3A_60 : memref<1x16x128xi32, #tpu.memory_space<vmem>> -> memref<16x128xi32, #tpu.memory_space<vmem>>
      %dma_wait3A_62 = arith.constant 0 : i32
      %dma_wait3A_63 = tpu.memref_slice %arg2[%mul3A_2, %dma_wait3A_62] : memref<2560x128xi32, #tpu.memory_space<hbm>> -> memref<16x128xi32, #tpu.memory_space<hbm>>
      %dma_wait3A_64 = arith.constant 0 : i32
      %dma_wait3A_65 = arith.constant 0 : i32
      %dma_wait3A_66 = tpu.memref_slice %arg7[%run_scoped3A, %dma_wait3A_64, %dma_wait3A_65] : memref<2x16x128xi32, #tpu.memory_space<vmem>> -> memref<1x16x128xi32, #tpu.memory_space<vmem>>
      %dma_wait3A_67 = tpu.memref_squeeze %dma_wait3A_66 : memref<1x16x128xi32, #tpu.memory_space<vmem>> -> memref<16x128xi32, #tpu.memory_space<vmem>>
      %dma_wait3A_68 = arith.constant 0 : i32
      %dma_wait3A_69 = tpu.memref_slice %arg2[%mul3A_2, %dma_wait3A_68] : memref<2560x128xi32, #tpu.memory_space<hbm>> -> memref<16x128xi32, #tpu.memory_space<hbm>>
      tpu.wait_dma2 semaphore(%run_scoped3A_46 : memref<!tpu.dma_semaphore, #tpu.memory_space<semaphore_mem>>) src(%dma_wait3A_69 : memref<16x128xi32, #tpu.memory_space<hbm>>) dst(%dma_wait3A_67 : memref<16x128xi32, #tpu.memory_space<vmem>>)
      tpu.yield
    }) : () -> ()
    %barrier3A = arith.constant 0 : index
    tpu.barrier barrier_id(%barrier3A)
    %scan3A = arith.constant 0 : i32
    %scan3A_5 = arith.constant 0 : i32
    %scan3A_6 = arith.constant 5 : i32
    %scan3A_7 = arith.addi %scan3A_5, %scan3A_6 : i32
    %scan3A_8 = arith.constant 1 : i32
    scf.for %scan3A_46 = %scan3A_5 to %scan3A_7 step %scan3A_8  : i32 {
      %rem3A = arith.constant 2 : i32
      %rem3A_47 = arith.remsi %scan3A_46, %rem3A : i32
      %scan3A_48 = arith.constant 0 : i32
      %scan3A_49 = arith.constant 0 : i32
      %scan3A_50 = arith.constant 16 : i32
      %scan3A_51 = arith.addi %scan3A_49, %scan3A_50 : i32
      %scan3A_52 = arith.constant 1 : i32
      scf.for %scan3A_56 = %scan3A_49 to %scan3A_51 step %scan3A_52  : i32 {
        %mul3A_57 = arith.constant 16 : i32
        %mul3A_58 = arith.muli %scan3A_46, %mul3A_57 : i32
        %add3A_59 = arith.addi %mul3A_58, %scan3A_56 : i32
        %dma_start3A = arith.constant 0 : i32
        %dma_start3A_60 = tpu.memref_slice %arg7[%rem3A_47, %scan3A_56, %dma_start3A] : memref<2x16x128xi32, #tpu.memory_space<vmem>> -> memref<1x1x128xi32, #tpu.memory_space<vmem>>
        %dma_start3A_61 = tpu.memref_squeeze %dma_start3A_60 : memref<1x1x128xi32, #tpu.memory_space<vmem>> -> memref<128xi32, #tpu.memory_space<vmem>>
        %dma_start3A_62 = arith.constant 0 : i32
        %dma_start3A_63 = arith.constant 0 : i32
        %dma_start3A_64 = tpu.memref_slice %arg6[%dma_start3A_62, %dma_start3A_63] : memref<10112x128xf32, #tpu.memory_space<vmem_shared>> -> memref<10112x128xf32, #tpu.memory_space<vmem_shared>>
        tpu.enqueue_indirect_dma source(%arg8 : memref<128x128xf32, #tpu.memory_space<vmem>>) target(%dma_start3A_64 : memref<10112x128xf32, #tpu.memory_space<vmem_shared>>) offsets(%dma_start3A_61 : memref<128xi32, #tpu.memory_space<vmem>>) semaphore(%arg9 : memref<!tpu.dma_semaphore, #tpu.memory_space<semaphore_mem>>) {add = true}
        %ge3A = arith.constant 4 : i32
        %ge3A_65 = arith.cmpi sge, %add3A_59, %ge3A : i32
        %convert_element_type3A_66 = arith.extui %ge3A_65 : i1 to i32
        %cond3A_67 = arith.constant 0 : i32
        %cond3A_68 = arith.cmpi ne, %convert_element_type3A_66, %cond3A_67 : i32
        scf.if %cond3A_68 {
          %dma_wait3A_69 = arith.constant 0 : i32
          %dma_wait3A_70 = tpu.memref_slice %arg7[%rem3A_47, %scan3A_56, %dma_wait3A_69] : memref<2x16x128xi32, #tpu.memory_space<vmem>> -> memref<1x1x128xi32, #tpu.memory_space<vmem>>
          %dma_wait3A_71 = tpu.memref_squeeze %dma_wait3A_70 : memref<1x1x128xi32, #tpu.memory_space<vmem>> -> memref<128xi32, #tpu.memory_space<vmem>>
          %dma_wait3A_72 = arith.constant 0 : i32
          %dma_wait3A_73 = arith.constant 0 : i32
          %dma_wait3A_74 = tpu.memref_slice %arg6[%dma_wait3A_72, %dma_wait3A_73] : memref<10112x128xf32, #tpu.memory_space<vmem_shared>> -> memref<10112x128xf32, #tpu.memory_space<vmem_shared>>
          tpu.wait_indirect_dma semaphore(%arg9 : memref<!tpu.dma_semaphore, #tpu.memory_space<semaphore_mem>>) src(%arg8 : memref<128x128xf32, #tpu.memory_space<vmem>>) dst(%dma_wait3A_74 : memref<10112x128xf32, #tpu.memory_space<vmem_shared>>)
        } else {
        }
      }
      %scan3A_53 = arith.constant 16 : i32
      %lt3A = arith.constant 4 : i32
      %lt3A_54 = arith.cmpi slt, %scan3A_46, %lt3A : i32
      %convert_element_type3A = arith.extui %lt3A_54 : i1 to i32
      %cond3A = arith.constant 0 : i32
      %cond3A_55 = arith.cmpi ne, %convert_element_type3A, %cond3A : i32
      scf.if %cond3A_55 {
        %add3A_56 = arith.constant 1 : i32
        %add3A_57 = arith.addi %scan3A_46, %add3A_56 : i32
        %mul3A_58 = arith.constant 16 : i32
        %mul3A_59 = arith.muli %add3A_57, %mul3A_58 : i32
        %add3A_60 = arith.addi %mul3A_2, %mul3A_59 : i32
        %add3A_61 = arith.constant 1 : i32
        %add3A_62 = arith.addi %scan3A_46, %add3A_61 : i32
        %rem3A_63 = arith.constant 2 : i32
        %rem3A_64 = arith.remsi %add3A_62, %rem3A_63 : i32
        "tpu.region"() ({
          %run_scoped3A_65 = tpu.sem_alloc : memref<!tpu.dma_semaphore, #tpu.memory_space<semaphore_mem>>
          %dma_start3A = arith.constant 0 : i32
          %dma_start3A_66 = arith.constant 0 : i32
          %dma_start3A_67 = tpu.memref_slice %arg7[%rem3A_64, %dma_start3A, %dma_start3A_66] : memref<2x16x128xi32, #tpu.memory_space<vmem>> -> memref<1x16x128xi32, #tpu.memory_space<vmem>>
          %dma_start3A_68 = tpu.memref_squeeze %dma_start3A_67 : memref<1x16x128xi32, #tpu.memory_space<vmem>> -> memref<16x128xi32, #tpu.memory_space<vmem>>
          %dma_start3A_69 = arith.constant 0 : i32
          %dma_start3A_70 = tpu.memref_slice %arg2[%add3A_60, %dma_start3A_69] : memref<2560x128xi32, #tpu.memory_space<hbm>> -> memref<16x128xi32, #tpu.memory_space<hbm>>
          %dma_start3A_71 = arith.constant 0 : i32
          %dma_start3A_72 = arith.constant 0 : i32
          %dma_start3A_73 = tpu.memref_slice %arg7[%rem3A_64, %dma_start3A_71, %dma_start3A_72] : memref<2x16x128xi32, #tpu.memory_space<vmem>> -> memref<1x16x128xi32, #tpu.memory_space<vmem>>
          %dma_start3A_74 = tpu.memref_squeeze %dma_start3A_73 : memref<1x16x128xi32, #tpu.memory_space<vmem>> -> memref<16x128xi32, #tpu.memory_space<vmem>>
          %dma_start3A_75 = arith.constant 0 : i32
          %dma_start3A_76 = tpu.memref_slice %arg2[%add3A_60, %dma_start3A_75] : memref<2560x128xi32, #tpu.memory_space<hbm>> -> memref<16x128xi32, #tpu.memory_space<hbm>>
          tpu.enqueue_dma source(%dma_start3A_76 : memref<16x128xi32, #tpu.memory_space<hbm>>) target(%dma_start3A_74 : memref<16x128xi32, #tpu.memory_space<vmem>>) target_semaphore(%run_scoped3A_65 : memref<!tpu.dma_semaphore, #tpu.memory_space<semaphore_mem>>)
          %dma_wait3A_77 = arith.constant 0 : i32
          %dma_wait3A_78 = arith.constant 0 : i32
          %dma_wait3A_79 = tpu.memref_slice %arg7[%rem3A_64, %dma_wait3A_77, %dma_wait3A_78] : memref<2x16x128xi32, #tpu.memory_space<vmem>> -> memref<1x16x128xi32, #tpu.memory_space<vmem>>
          %dma_wait3A_80 = tpu.memref_squeeze %dma_wait3A_79 : memref<1x16x128xi32, #tpu.memory_space<vmem>> -> memref<16x128xi32, #tpu.memory_space<vmem>>
          %dma_wait3A_81 = arith.constant 0 : i32
          %dma_wait3A_82 = tpu.memref_slice %arg2[%add3A_60, %dma_wait3A_81] : memref<2560x128xi32, #tpu.memory_space<hbm>> -> memref<16x128xi32, #tpu.memory_space<hbm>>
          %dma_wait3A_83 = arith.constant 0 : i32
          %dma_wait3A_84 = arith.constant 0 : i32
          %dma_wait3A_85 = tpu.memref_slice %arg7[%rem3A_64, %dma_wait3A_83, %dma_wait3A_84] : memref<2x16x128xi32, #tpu.memory_space<vmem>> -> memref<1x16x128xi32, #tpu.memory_space<vmem>>
          %dma_wait3A_86 = tpu.memref_squeeze %dma_wait3A_85 : memref<1x16x128xi32, #tpu.memory_space<vmem>> -> memref<16x128xi32, #tpu.memory_space<vmem>>
          %dma_wait3A_87 = arith.constant 0 : i32
          %dma_wait3A_88 = tpu.memref_slice %arg2[%add3A_60, %dma_wait3A_87] : memref<2560x128xi32, #tpu.memory_space<hbm>> -> memref<16x128xi32, #tpu.memory_space<hbm>>
          tpu.wait_dma2 semaphore(%run_scoped3A_65 : memref<!tpu.dma_semaphore, #tpu.memory_space<semaphore_mem>>) src(%dma_wait3A_88 : memref<16x128xi32, #tpu.memory_space<hbm>>) dst(%dma_wait3A_86 : memref<16x128xi32, #tpu.memory_space<vmem>>)
          tpu.yield
        }) : () -> ()
      } else {
      }
    }
    %scan3A_9 = arith.constant 5 : i32
    %dma_wait3A = arith.constant 0 : i32
    %dma_wait3A_10 = arith.constant 0 : i32
    %dma_wait3A_11 = arith.constant 0 : i32
    %dma_wait3A_12 = tpu.memref_slice %arg7[%dma_wait3A, %dma_wait3A_10, %dma_wait3A_11] : memref<2x16x128xi32, #tpu.memory_space<vmem>> -> memref<1x1x128xi32, #tpu.memory_space<vmem>>
    %dma_wait3A_13 = tpu.memref_squeeze %dma_wait3A_12 : memref<1x1x128xi32, #tpu.memory_space<vmem>> -> memref<128xi32, #tpu.memory_space<vmem>>
    %dma_wait3A_14 = arith.constant 0 : i32
    %dma_wait3A_15 = arith.constant 0 : i32
    %dma_wait3A_16 = tpu.memref_slice %arg6[%dma_wait3A_14, %dma_wait3A_15] : memref<10112x128xf32, #tpu.memory_space<vmem_shared>> -> memref<10112x128xf32, #tpu.memory_space<vmem_shared>>
    tpu.wait_indirect_dma semaphore(%arg9 : memref<!tpu.dma_semaphore, #tpu.memory_space<semaphore_mem>>) src(%arg8 : memref<128x128xf32, #tpu.memory_space<vmem>>) dst(%dma_wait3A_16 : memref<10112x128xf32, #tpu.memory_space<vmem_shared>>)
    %dma_wait3A_17 = arith.constant 0 : i32
    %dma_wait3A_18 = arith.constant 0 : i32
    %dma_wait3A_19 = arith.constant 0 : i32
    %dma_wait3A_20 = tpu.memref_slice %arg7[%dma_wait3A_17, %dma_wait3A_18, %dma_wait3A_19] : memref<2x16x128xi32, #tpu.memory_space<vmem>> -> memref<1x1x128xi32, #tpu.memory_space<vmem>>
    %dma_wait3A_21 = tpu.memref_squeeze %dma_wait3A_20 : memref<1x1x128xi32, #tpu.memory_space<vmem>> -> memref<128xi32, #tpu.memory_space<vmem>>
    %dma_wait3A_22 = arith.constant 0 : i32
    %dma_wait3A_23 = arith.constant 0 : i32
    %dma_wait3A_24 = tpu.memref_slice %arg6[%dma_wait3A_22, %dma_wait3A_23] : memref<10112x128xf32, #tpu.memory_space<vmem_shared>> -> memref<10112x128xf32, #tpu.memory_space<vmem_shared>>
    tpu.wait_indirect_dma semaphore(%arg9 : memref<!tpu.dma_semaphore, #tpu.memory_space<semaphore_mem>>) src(%arg8 : memref<128x128xf32, #tpu.memory_space<vmem>>) dst(%dma_wait3A_24 : memref<10112x128xf32, #tpu.memory_space<vmem_shared>>)
    %dma_wait3A_25 = arith.constant 0 : i32
    %dma_wait3A_26 = arith.constant 0 : i32
    %dma_wait3A_27 = arith.constant 0 : i32
    %dma_wait3A_28 = tpu.memref_slice %arg7[%dma_wait3A_25, %dma_wait3A_26, %dma_wait3A_27] : memref<2x16x128xi32, #tpu.memory_space<vmem>> -> memref<1x1x128xi32, #tpu.memory_space<vmem>>
    %dma_wait3A_29 = tpu.memref_squeeze %dma_wait3A_28 : memref<1x1x128xi32, #tpu.memory_space<vmem>> -> memref<128xi32, #tpu.memory_space<vmem>>
    %dma_wait3A_30 = arith.constant 0 : i32
    %dma_wait3A_31 = arith.constant 0 : i32
    %dma_wait3A_32 = tpu.memref_slice %arg6[%dma_wait3A_30, %dma_wait3A_31] : memref<10112x128xf32, #tpu.memory_space<vmem_shared>> -> memref<10112x128xf32, #tpu.memory_space<vmem_shared>>
    tpu.wait_indirect_dma semaphore(%arg9 : memref<!tpu.dma_semaphore, #tpu.memory_space<semaphore_mem>>) src(%arg8 : memref<128x128xf32, #tpu.memory_space<vmem>>) dst(%dma_wait3A_32 : memref<10112x128xf32, #tpu.memory_space<vmem_shared>>)
    %dma_wait3A_33 = arith.constant 0 : i32
    %dma_wait3A_34 = arith.constant 0 : i32
    %dma_wait3A_35 = arith.constant 0 : i32
    %dma_wait3A_36 = tpu.memref_slice %arg7[%dma_wait3A_33, %dma_wait3A_34, %dma_wait3A_35] : memref<2x16x128xi32, #tpu.memory_space<vmem>> -> memref<1x1x128xi32, #tpu.memory_space<vmem>>
    %dma_wait3A_37 = tpu.memref_squeeze %dma_wait3A_36 : memref<1x1x128xi32, #tpu.memory_space<vmem>> -> memref<128xi32, #tpu.memory_space<vmem>>
    %dma_wait3A_38 = arith.constant 0 : i32
    %dma_wait3A_39 = arith.constant 0 : i32
    %dma_wait3A_40 = tpu.memref_slice %arg6[%dma_wait3A_38, %dma_wait3A_39] : memref<10112x128xf32, #tpu.memory_space<vmem_shared>> -> memref<10112x128xf32, #tpu.memory_space<vmem_shared>>
    tpu.wait_indirect_dma semaphore(%arg9 : memref<!tpu.dma_semaphore, #tpu.memory_space<semaphore_mem>>) src(%arg8 : memref<128x128xf32, #tpu.memory_space<vmem>>) dst(%dma_wait3A_40 : memref<10112x128xf32, #tpu.memory_space<vmem_shared>>)
    %barrier3A_41 = arith.constant 0 : index
    tpu.barrier barrier_id(%barrier3A_41)
    %mul3A_42 = arith.constant 632 : i32
    %mul3A_43 = arith.muli %arg1, %mul3A_42 : i32
    %mul3A_44 = arith.constant 632 : i32
    %mul3A_45 = arith.muli %arg1, %mul3A_44 : i32
    "tpu.region"() ({
      %run_scoped3A_46 = tpu.sem_alloc : memref<!tpu.dma_semaphore, #tpu.memory_space<semaphore_mem>>
      %dma_start3A = arith.constant 0 : i32
      %dma_start3A_47 = tpu.memref_slice %arg5[%arg0, %mul3A_45, %dma_start3A] : memref<2x10112x128xf32, #tpu.memory_space<hbm>> -> memref<1x632x128xf32, #tpu.memory_space<hbm>>
      %dma_start3A_48 = tpu.memref_squeeze %dma_start3A_47 : memref<1x632x128xf32, #tpu.memory_space<hbm>> -> memref<632x128xf32, #tpu.memory_space<hbm>>
      %dma_start3A_49 = arith.constant 0 : i32
      %dma_start3A_50 = tpu.memref_slice %arg6[%mul3A_43, %dma_start3A_49] : memref<10112x128xf32, #tpu.memory_space<vmem_shared>> -> memref<632x128xf32, #tpu.memory_space<vmem_shared>>
      tpu.enqueue_dma source(%dma_start3A_50 : memref<632x128xf32, #tpu.memory_space<vmem_shared>>) target(%dma_start3A_48 : memref<632x128xf32, #tpu.memory_space<hbm>>) target_semaphore(%run_scoped3A_46 : memref<!tpu.dma_semaphore, #tpu.memory_space<semaphore_mem>>)
      %dma_wait3A_51 = arith.constant 0 : i32
      %dma_wait3A_52 = tpu.memref_slice %arg5[%arg0, %mul3A_45, %dma_wait3A_51] : memref<2x10112x128xf32, #tpu.memory_space<hbm>> -> memref<1x632x128xf32, #tpu.memory_space<hbm>>
      %dma_wait3A_53 = tpu.memref_squeeze %dma_wait3A_52 : memref<1x632x128xf32, #tpu.memory_space<hbm>> -> memref<632x128xf32, #tpu.memory_space<hbm>>
      %dma_wait3A_54 = arith.constant 0 : i32
      %dma_wait3A_55 = tpu.memref_slice %arg6[%mul3A_43, %dma_wait3A_54] : memref<10112x128xf32, #tpu.memory_space<vmem_shared>> -> memref<632x128xf32, #tpu.memory_space<vmem_shared>>
      tpu.wait_dma2 semaphore(%run_scoped3A_46 : memref<!tpu.dma_semaphore, #tpu.memory_space<semaphore_mem>>) src(%dma_wait3A_55 : memref<632x128xf32, #tpu.memory_space<vmem_shared>>) dst(%dma_wait3A_53 : memref<632x128xf32, #tpu.memory_space<hbm>>)
      tpu.yield
    }) : () -> ()
    return
  }
}

#map = affine_map<(d0, d1) -> (0, 0)>
#map1 = affine_map<(d0, d1) -> (0, 0, 0)>
module attributes {stable_mosaic.version = 14 : i64} {
  func.func @_sc_agg_body(%arg0: i32, %arg1: i32, %arg2: memref<10000x128xf32, #tpu.memory_space<hbm>>, %arg3: memref<5120x64xi32, #tpu.memory_space<hbm>>, %arg4: memref<5120x64xi32, #tpu.memory_space<hbm>>, %arg5: memref<632x128xf32, #tpu.memory_space<hbm>>, %arg6: memref<2x10112x128xf32, #tpu.memory_space<hbm>>, %arg7: memref<10112x128xf32, #tpu.memory_space<vmem_shared>>, %arg8: memref<2x16x64xi32, #tpu.memory_space<vmem>>, %arg9: memref<2x16x64xi32, #tpu.memory_space<vmem>>, %arg10: memref<4x64x128xf32, #tpu.memory_space<vmem>>, %arg11: memref<!tpu.dma_semaphore, #tpu.memory_space<semaphore_mem>>, %arg12: memref<!tpu.dma_semaphore, #tpu.memory_space<semaphore_mem>>) attributes {dimension_semantics = [#tpu.dimension_semantics<core_parallel>, #tpu.dimension_semantics<subcore_parallel>], iteration_bounds = array<i64: 2, 16>, scalar_prefetch = 0 : i64, scratch_operands = 6 : i64, tpu.core_type = #tpu.core_type<sc_vector_subcore>, window_params = [{transform_indices = #map}, {transform_indices = #map}, {transform_indices = #map}, {transform_indices = #map}, {transform_indices = #map1}]} {
    %mul3A = arith.constant 16 : i32
    %mul3A_0 = arith.muli %arg0, %mul3A : i32
    %add3A = arith.addi %mul3A_0, %arg1 : i32
    %mul3A_1 = arith.constant 160 : i32
    %mul3A_2 = arith.muli %add3A, %mul3A_1 : i32
    %mul3A_3 = arith.constant 632 : i32
    %mul3A_4 = arith.muli %arg1, %mul3A_3 : i32
    "tpu.region"() ({
      %run_scoped3A_66 = tpu.sem_alloc : memref<!tpu.dma_semaphore, #tpu.memory_space<semaphore_mem>>
      %dma_start3A_67 = arith.constant 0 : i32
      %dma_start3A_68 = tpu.memref_slice %arg7[%mul3A_4, %dma_start3A_67] : memref<10112x128xf32, #tpu.memory_space<vmem_shared>> -> memref<632x128xf32, #tpu.memory_space<vmem_shared>>
      tpu.enqueue_dma source(%arg5 : memref<632x128xf32, #tpu.memory_space<hbm>>) target(%dma_start3A_68 : memref<632x128xf32, #tpu.memory_space<vmem_shared>>) target_semaphore(%run_scoped3A_66 : memref<!tpu.dma_semaphore, #tpu.memory_space<semaphore_mem>>)
      %dma_wait3A_69 = arith.constant 0 : i32
      %dma_wait3A_70 = tpu.memref_slice %arg7[%mul3A_4, %dma_wait3A_69] : memref<10112x128xf32, #tpu.memory_space<vmem_shared>> -> memref<632x128xf32, #tpu.memory_space<vmem_shared>>
      tpu.wait_dma2 semaphore(%run_scoped3A_66 : memref<!tpu.dma_semaphore, #tpu.memory_space<semaphore_mem>>) src(%arg5 : memref<632x128xf32, #tpu.memory_space<hbm>>) dst(%dma_wait3A_70 : memref<632x128xf32, #tpu.memory_space<vmem_shared>>)
      tpu.yield
    }) : () -> ()
    %run_scoped3A = arith.constant 0 : i32
    "tpu.region"() ({
      %run_scoped3A_66 = tpu.sem_alloc : memref<!tpu.dma_semaphore, #tpu.memory_space<semaphore_mem>>
      %dma_start3A_67 = arith.constant 0 : i32
      %dma_start3A_68 = arith.constant 0 : i32
      %dma_start3A_69 = tpu.memref_slice %arg8[%run_scoped3A, %dma_start3A_67, %dma_start3A_68] : memref<2x16x64xi32, #tpu.memory_space<vmem>> -> memref<1x16x64xi32, #tpu.memory_space<vmem>>
      %dma_start3A_70 = tpu.memref_squeeze %dma_start3A_69 : memref<1x16x64xi32, #tpu.memory_space<vmem>> -> memref<16x64xi32, #tpu.memory_space<vmem>>
      %dma_start3A_71 = arith.constant 0 : i32
      %dma_start3A_72 = tpu.memref_slice %arg3[%mul3A_2, %dma_start3A_71] : memref<5120x64xi32, #tpu.memory_space<hbm>> -> memref<16x64xi32, #tpu.memory_space<hbm>>
      %dma_start3A_73 = arith.constant 0 : i32
      %dma_start3A_74 = arith.constant 0 : i32
      %dma_start3A_75 = tpu.memref_slice %arg8[%run_scoped3A, %dma_start3A_73, %dma_start3A_74] : memref<2x16x64xi32, #tpu.memory_space<vmem>> -> memref<1x16x64xi32, #tpu.memory_space<vmem>>
      %dma_start3A_76 = tpu.memref_squeeze %dma_start3A_75 : memref<1x16x64xi32, #tpu.memory_space<vmem>> -> memref<16x64xi32, #tpu.memory_space<vmem>>
      %dma_start3A_77 = arith.constant 0 : i32
      %dma_start3A_78 = tpu.memref_slice %arg3[%mul3A_2, %dma_start3A_77] : memref<5120x64xi32, #tpu.memory_space<hbm>> -> memref<16x64xi32, #tpu.memory_space<hbm>>
      tpu.enqueue_dma source(%dma_start3A_78 : memref<16x64xi32, #tpu.memory_space<hbm>>) target(%dma_start3A_76 : memref<16x64xi32, #tpu.memory_space<vmem>>) target_semaphore(%run_scoped3A_66 : memref<!tpu.dma_semaphore, #tpu.memory_space<semaphore_mem>>)
      %dma_wait3A_79 = arith.constant 0 : i32
      %dma_wait3A_80 = arith.constant 0 : i32
      %dma_wait3A_81 = tpu.memref_slice %arg8[%run_scoped3A, %dma_wait3A_79, %dma_wait3A_80] : memref<2x16x64xi32, #tpu.memory_space<vmem>> -> memref<1x16x64xi32, #tpu.memory_space<vmem>>
      %dma_wait3A_82 = tpu.memref_squeeze %dma_wait3A_81 : memref<1x16x64xi32, #tpu.memory_space<vmem>> -> memref<16x64xi32, #tpu.memory_space<vmem>>
      %dma_wait3A_83 = arith.constant 0 : i32
      %dma_wait3A_84 = tpu.memref_slice %arg3[%mul3A_2, %dma_wait3A_83] : memref<5120x64xi32, #tpu.memory_space<hbm>> -> memref<16x64xi32, #tpu.memory_space<hbm>>
      %dma_wait3A_85 = arith.constant 0 : i32
      %dma_wait3A_86 = arith.constant 0 : i32
      %dma_wait3A_87 = tpu.memref_slice %arg8[%run_scoped3A, %dma_wait3A_85, %dma_wait3A_86] : memref<2x16x64xi32, #tpu.memory_space<vmem>> -> memref<1x16x64xi32, #tpu.memory_space<vmem>>
      %dma_wait3A_88 = tpu.memref_squeeze %dma_wait3A_87 : memref<1x16x64xi32, #tpu.memory_space<vmem>> -> memref<16x64xi32, #tpu.memory_space<vmem>>
      %dma_wait3A_89 = arith.constant 0 : i32
      %dma_wait3A_90 = tpu.memref_slice %arg3[%mul3A_2, %dma_wait3A_89] : memref<5120x64xi32, #tpu.memory_space<hbm>> -> memref<16x64xi32, #tpu.memory_space<hbm>>
      tpu.wait_dma2 semaphore(%run_scoped3A_66 : memref<!tpu.dma_semaphore, #tpu.memory_space<semaphore_mem>>) src(%dma_wait3A_90 : memref<16x64xi32, #tpu.memory_space<hbm>>) dst(%dma_wait3A_88 : memref<16x64xi32, #tpu.memory_space<vmem>>)
      tpu.yield
    }) : () -> ()
    %run_scoped3A_5 = arith.constant 0 : i32
    "tpu.region"() ({
      %run_scoped3A_66 = tpu.sem_alloc : memref<!tpu.dma_semaphore, #tpu.memory_space<semaphore_mem>>
      %dma_start3A_67 = arith.constant 0 : i32
      %dma_start3A_68 = arith.constant 0 : i32
      %dma_start3A_69 = tpu.memref_slice %arg9[%run_scoped3A_5, %dma_start3A_67, %dma_start3A_68] : memref<2x16x64xi32, #tpu.memory_space<vmem>> -> memref<1x16x64xi32, #tpu.memory_space<vmem>>
      %dma_start3A_70 = tpu.memref_squeeze %dma_start3A_69 : memref<1x16x64xi32, #tpu.memory_space<vmem>> -> memref<16x64xi32, #tpu.memory_space<vmem>>
      %dma_start3A_71 = arith.constant 0 : i32
      %dma_start3A_72 = tpu.memref_slice %arg4[%mul3A_2, %dma_start3A_71] : memref<5120x64xi32, #tpu.memory_space<hbm>> -> memref<16x64xi32, #tpu.memory_space<hbm>>
      %dma_start3A_73 = arith.constant 0 : i32
      %dma_start3A_74 = arith.constant 0 : i32
      %dma_start3A_75 = tpu.memref_slice %arg9[%run_scoped3A_5, %dma_start3A_73, %dma_start3A_74] : memref<2x16x64xi32, #tpu.memory_space<vmem>> -> memref<1x16x64xi32, #tpu.memory_space<vmem>>
      %dma_start3A_76 = tpu.memref_squeeze %dma_start3A_75 : memref<1x16x64xi32, #tpu.memory_space<vmem>> -> memref<16x64xi32, #tpu.memory_space<vmem>>
      %dma_start3A_77 = arith.constant 0 : i32
      %dma_start3A_78 = tpu.memref_slice %arg4[%mul3A_2, %dma_start3A_77] : memref<5120x64xi32, #tpu.memory_space<hbm>> -> memref<16x64xi32, #tpu.memory_space<hbm>>
      tpu.enqueue_dma source(%dma_start3A_78 : memref<16x64xi32, #tpu.memory_space<hbm>>) target(%dma_start3A_76 : memref<16x64xi32, #tpu.memory_space<vmem>>) target_semaphore(%run_scoped3A_66 : memref<!tpu.dma_semaphore, #tpu.memory_space<semaphore_mem>>)
      %dma_wait3A_79 = arith.constant 0 : i32
      %dma_wait3A_80 = arith.constant 0 : i32
      %dma_wait3A_81 = tpu.memref_slice %arg9[%run_scoped3A_5, %dma_wait3A_79, %dma_wait3A_80] : memref<2x16x64xi32, #tpu.memory_space<vmem>> -> memref<1x16x64xi32, #tpu.memory_space<vmem>>
      %dma_wait3A_82 = tpu.memref_squeeze %dma_wait3A_81 : memref<1x16x64xi32, #tpu.memory_space<vmem>> -> memref<16x64xi32, #tpu.memory_space<vmem>>
      %dma_wait3A_83 = arith.constant 0 : i32
      %dma_wait3A_84 = tpu.memref_slice %arg4[%mul3A_2, %dma_wait3A_83] : memref<5120x64xi32, #tpu.memory_space<hbm>> -> memref<16x64xi32, #tpu.memory_space<hbm>>
      %dma_wait3A_85 = arith.constant 0 : i32
      %dma_wait3A_86 = arith.constant 0 : i32
      %dma_wait3A_87 = tpu.memref_slice %arg9[%run_scoped3A_5, %dma_wait3A_85, %dma_wait3A_86] : memref<2x16x64xi32, #tpu.memory_space<vmem>> -> memref<1x16x64xi32, #tpu.memory_space<vmem>>
      %dma_wait3A_88 = tpu.memref_squeeze %dma_wait3A_87 : memref<1x16x64xi32, #tpu.memory_space<vmem>> -> memref<16x64xi32, #tpu.memory_space<vmem>>
      %dma_wait3A_89 = arith.constant 0 : i32
      %dma_wait3A_90 = tpu.memref_slice %arg4[%mul3A_2, %dma_wait3A_89] : memref<5120x64xi32, #tpu.memory_space<hbm>> -> memref<16x64xi32, #tpu.memory_space<hbm>>
      tpu.wait_dma2 semaphore(%run_scoped3A_66 : memref<!tpu.dma_semaphore, #tpu.memory_space<semaphore_mem>>) src(%dma_wait3A_90 : memref<16x64xi32, #tpu.memory_space<hbm>>) dst(%dma_wait3A_88 : memref<16x64xi32, #tpu.memory_space<vmem>>)
      tpu.yield
    }) : () -> ()
    %barrier3A = arith.constant 0 : index
    tpu.barrier barrier_id(%barrier3A)
    %dma_start3A = arith.constant 0 : i32
    %dma_start3A_6 = arith.constant 0 : i32
    %dma_start3A_7 = arith.constant 0 : i32
    %dma_start3A_8 = arith.constant 0 : i32
    %dma_start3A_9 = arith.constant 0 : i32
    %dma_start3A_10 = tpu.memref_slice %arg10[%dma_start3A_7, %dma_start3A_8, %dma_start3A_9] : memref<4x64x128xf32, #tpu.memory_space<vmem>> -> memref<1x64x128xf32, #tpu.memory_space<vmem>>
    %dma_start3A_11 = tpu.memref_squeeze %dma_start3A_10 : memref<1x64x128xf32, #tpu.memory_space<vmem>> -> memref<64x128xf32, #tpu.memory_space<vmem>>
    %dma_start3A_12 = arith.constant 0 : i32
    %dma_start3A_13 = tpu.memref_slice %arg8[%dma_start3A, %dma_start3A_6, %dma_start3A_12] : memref<2x16x64xi32, #tpu.memory_space<vmem>> -> memref<1x1x64xi32, #tpu.memory_space<vmem>>
    %dma_start3A_14 = tpu.memref_squeeze %dma_start3A_13 : memref<1x1x64xi32, #tpu.memory_space<vmem>> -> memref<64xi32, #tpu.memory_space<vmem>>
    %dma_start3A_15 = arith.constant 0 : i32
    %dma_start3A_16 = arith.constant 0 : i32
    %dma_start3A_17 = tpu.memref_slice %arg2[%dma_start3A_15, %dma_start3A_16] : memref<10000x128xf32, #tpu.memory_space<hbm>> -> memref<10000x128xf32, #tpu.memory_space<hbm>>
    tpu.enqueue_indirect_dma source(%dma_start3A_17 : memref<10000x128xf32, #tpu.memory_space<hbm>>) target(%dma_start3A_11 : memref<64x128xf32, #tpu.memory_space<vmem>>) offsets(%dma_start3A_14 : memref<64xi32, #tpu.memory_space<vmem>>) semaphore(%arg11 : memref<!tpu.dma_semaphore, #tpu.memory_space<semaphore_mem>>)
    %dma_start3A_18 = arith.constant 0 : i32
    %dma_start3A_19 = arith.constant 1 : i32
    %dma_start3A_20 = arith.constant 1 : i32
    %dma_start3A_21 = arith.constant 0 : i32
    %dma_start3A_22 = arith.constant 0 : i32
    %dma_start3A_23 = tpu.memref_slice %arg10[%dma_start3A_20, %dma_start3A_21, %dma_start3A_22] : memref<4x64x128xf32, #tpu.memory_space<vmem>> -> memref<1x64x128xf32, #tpu.memory_space<vmem>>
    %dma_start3A_24 = tpu.memref_squeeze %dma_start3A_23 : memref<1x64x128xf32, #tpu.memory_space<vmem>> -> memref<64x128xf32, #tpu.memory_space<vmem>>
    %dma_start3A_25 = arith.constant 0 : i32
    %dma_start3A_26 = tpu.memref_slice %arg8[%dma_start3A_18, %dma_start3A_19, %dma_start3A_25] : memref<2x16x64xi32, #tpu.memory_space<vmem>> -> memref<1x1x64xi32, #tpu.memory_space<vmem>>
    %dma_start3A_27 = tpu.memref_squeeze %dma_start3A_26 : memref<1x1x64xi32, #tpu.memory_space<vmem>> -> memref<64xi32, #tpu.memory_space<vmem>>
    %dma_start3A_28 = arith.constant 0 : i32
    %dma_start3A_29 = arith.constant 0 : i32
    %dma_start3A_30 = tpu.memref_slice %arg2[%dma_start3A_28, %dma_start3A_29] : memref<10000x128xf32, #tpu.memory_space<hbm>> -> memref<10000x128xf32, #tpu.memory_space<hbm>>
    tpu.enqueue_indirect_dma source(%dma_start3A_30 : memref<10000x128xf32, #tpu.memory_space<hbm>>) target(%dma_start3A_24 : memref<64x128xf32, #tpu.memory_space<vmem>>) offsets(%dma_start3A_27 : memref<64xi32, #tpu.memory_space<vmem>>) semaphore(%arg11 : memref<!tpu.dma_semaphore, #tpu.memory_space<semaphore_mem>>)
    %dma_start3A_31 = arith.constant 0 : i32
    %dma_start3A_32 = arith.constant 2 : i32
    %dma_start3A_33 = arith.constant 2 : i32
    %dma_start3A_34 = arith.constant 0 : i32
    %dma_start3A_35 = arith.constant 0 : i32
    %dma_start3A_36 = tpu.memref_slice %arg10[%dma_start3A_33, %dma_start3A_34, %dma_start3A_35] : memref<4x64x128xf32, #tpu.memory_space<vmem>> -> memref<1x64x128xf32, #tpu.memory_space<vmem>>
    %dma_start3A_37 = tpu.memref_squeeze %dma_start3A_36 : memref<1x64x128xf32, #tpu.memory_space<vmem>> -> memref<64x128xf32, #tpu.memory_space<vmem>>
    %dma_start3A_38 = arith.constant 0 : i32
    %dma_start3A_39 = tpu.memref_slice %arg8[%dma_start3A_31, %dma_start3A_32, %dma_start3A_38] : memref<2x16x64xi32, #tpu.memory_space<vmem>> -> memref<1x1x64xi32, #tpu.memory_space<vmem>>
    %dma_start3A_40 = tpu.memref_squeeze %dma_start3A_39 : memref<1x1x64xi32, #tpu.memory_space<vmem>> -> memref<64xi32, #tpu.memory_space<vmem>>
    %dma_start3A_41 = arith.constant 0 : i32
    %dma_start3A_42 = arith.constant 0 : i32
    %dma_start3A_43 = tpu.memref_slice %arg2[%dma_start3A_41, %dma_start3A_42] : memref<10000x128xf32, #tpu.memory_space<hbm>> -> memref<10000x128xf32, #tpu.memory_space<hbm>>
    tpu.enqueue_indirect_dma source(%dma_start3A_43 : memref<10000x128xf32, #tpu.memory_space<hbm>>) target(%dma_start3A_37 : memref<64x128xf32, #tpu.memory_space<vmem>>) offsets(%dma_start3A_40 : memref<64xi32, #tpu.memory_space<vmem>>) semaphore(%arg11 : memref<!tpu.dma_semaphore, #tpu.memory_space<semaphore_mem>>)
    %scan3A = arith.constant 0 : i32
    %scan3A_44 = arith.constant 0 : i32
    %scan3A_45 = arith.constant 10 : i32
    %scan3A_46 = arith.addi %scan3A_44, %scan3A_45 : i32
    %scan3A_47 = arith.constant 1 : i32
    scf.for %scan3A_66 = %scan3A_44 to %scan3A_46 step %scan3A_47  : i32 {
      %rem3A = arith.constant 2 : i32
      %rem3A_67 = arith.remsi %scan3A_66, %rem3A : i32
      %scan3A_68 = arith.constant 0 : i32
      %scan3A_69 = arith.constant 0 : i32
      %scan3A_70 = arith.constant 16 : i32
      %scan3A_71 = arith.addi %scan3A_69, %scan3A_70 : i32
      %scan3A_72 = arith.constant 1 : i32
      scf.for %scan3A_76 = %scan3A_69 to %scan3A_71 step %scan3A_72  : i32 {
        %mul3A_77 = arith.constant 16 : i32
        %mul3A_78 = arith.muli %scan3A_66, %mul3A_77 : i32
        %add3A_79 = arith.addi %mul3A_78, %scan3A_76 : i32
        %rem3A_80 = arith.constant 4 : i32
        %rem3A_81 = arith.remsi %add3A_79, %rem3A_80 : i32
        %dma_wait3A_82 = arith.constant 0 : i32
        %dma_wait3A_83 = arith.constant 0 : i32
        %dma_wait3A_84 = tpu.memref_slice %arg10[%rem3A_81, %dma_wait3A_82, %dma_wait3A_83] : memref<4x64x128xf32, #tpu.memory_space<vmem>> -> memref<1x64x128xf32, #tpu.memory_space<vmem>>
        %dma_wait3A_85 = tpu.memref_squeeze %dma_wait3A_84 : memref<1x64x128xf32, #tpu.memory_space<vmem>> -> memref<64x128xf32, #tpu.memory_space<vmem>>
        %dma_wait3A_86 = arith.constant 0 : i32
        %dma_wait3A_87 = tpu.memref_slice %arg8[%rem3A_67, %scan3A_76, %dma_wait3A_86] : memref<2x16x64xi32, #tpu.memory_space<vmem>> -> memref<1x1x64xi32, #tpu.memory_space<vmem>>
        %dma_wait3A_88 = tpu.memref_squeeze %dma_wait3A_87 : memref<1x1x64xi32, #tpu.memory_space<vmem>> -> memref<64xi32, #tpu.memory_space<vmem>>
        %dma_wait3A_89 = arith.constant 0 : i32
        %dma_wait3A_90 = arith.constant 0 : i32
        %dma_wait3A_91 = tpu.memref_slice %arg2[%dma_wait3A_89, %dma_wait3A_90] : memref<10000x128xf32, #tpu.memory_space<hbm>> -> memref<10000x128xf32, #tpu.memory_space<hbm>>
        tpu.wait_indirect_dma semaphore(%arg11 : memref<!tpu.dma_semaphore, #tpu.memory_space<semaphore_mem>>) src(%dma_wait3A_91 : memref<10000x128xf32, #tpu.memory_space<hbm>>) dst(%dma_wait3A_85 : memref<64x128xf32, #tpu.memory_space<vmem>>)
        %dma_start3A_92 = arith.constant 0 : i32
        %dma_start3A_93 = arith.constant 0 : i32
        %dma_start3A_94 = tpu.memref_slice %arg10[%rem3A_81, %dma_start3A_92, %dma_start3A_93] : memref<4x64x128xf32, #tpu.memory_space<vmem>> -> memref<1x64x128xf32, #tpu.memory_space<vmem>>
        %dma_start3A_95 = tpu.memref_squeeze %dma_start3A_94 : memref<1x64x128xf32, #tpu.memory_space<vmem>> -> memref<64x128xf32, #tpu.memory_space<vmem>>
        %dma_start3A_96 = arith.constant 0 : i32
        %dma_start3A_97 = tpu.memref_slice %arg9[%rem3A_67, %scan3A_76, %dma_start3A_96] : memref<2x16x64xi32, #tpu.memory_space<vmem>> -> memref<1x1x64xi32, #tpu.memory_space<vmem>>
        %dma_start3A_98 = tpu.memref_squeeze %dma_start3A_97 : memref<1x1x64xi32, #tpu.memory_space<vmem>> -> memref<64xi32, #tpu.memory_space<vmem>>
        %dma_start3A_99 = arith.constant 0 : i32
        %dma_start3A_100 = arith.constant 0 : i32
        %dma_start3A_101 = tpu.memref_slice %arg7[%dma_start3A_99, %dma_start3A_100] : memref<10112x128xf32, #tpu.memory_space<vmem_shared>> -> memref<10112x128xf32, #tpu.memory_space<vmem_shared>>
        tpu.enqueue_indirect_dma source(%dma_start3A_95 : memref<64x128xf32, #tpu.memory_space<vmem>>) target(%dma_start3A_101 : memref<10112x128xf32, #tpu.memory_space<vmem_shared>>) offsets(%dma_start3A_98 : memref<64xi32, #tpu.memory_space<vmem>>) semaphore(%arg12 : memref<!tpu.dma_semaphore, #tpu.memory_space<semaphore_mem>>) {add = true}
        %ge3A = arith.constant 1 : i32
        %ge3A_102 = arith.cmpi sge, %scan3A_76, %ge3A : i32
        %convert_element_type3A_103 = arith.extui %ge3A_102 : i1 to i32
        %cond3A_104 = arith.constant 0 : i32
        %cond3A_105 = arith.cmpi ne, %convert_element_type3A_103, %cond3A_104 : i32
        scf.if %cond3A_105 {
          %dma_wait3A_111 = arith.constant 0 : i32
          %dma_wait3A_112 = arith.constant 0 : i32
          %dma_wait3A_113 = tpu.memref_slice %arg10[%rem3A_81, %dma_wait3A_111, %dma_wait3A_112] : memref<4x64x128xf32, #tpu.memory_space<vmem>> -> memref<1x64x128xf32, #tpu.memory_space<vmem>>
          %dma_wait3A_114 = tpu.memref_squeeze %dma_wait3A_113 : memref<1x64x128xf32, #tpu.memory_space<vmem>> -> memref<64x128xf32, #tpu.memory_space<vmem>>
          %dma_wait3A_115 = arith.constant 0 : i32
          %dma_wait3A_116 = tpu.memref_slice %arg9[%rem3A_67, %scan3A_76, %dma_wait3A_115] : memref<2x16x64xi32, #tpu.memory_space<vmem>> -> memref<1x1x64xi32, #tpu.memory_space<vmem>>
          %dma_wait3A_117 = tpu.memref_squeeze %dma_wait3A_116 : memref<1x1x64xi32, #tpu.memory_space<vmem>> -> memref<64xi32, #tpu.memory_space<vmem>>
          %dma_wait3A_118 = arith.constant 0 : i32
          %dma_wait3A_119 = arith.constant 0 : i32
          %dma_wait3A_120 = tpu.memref_slice %arg7[%dma_wait3A_118, %dma_wait3A_119] : memref<10112x128xf32, #tpu.memory_space<vmem_shared>> -> memref<10112x128xf32, #tpu.memory_space<vmem_shared>>
          tpu.wait_indirect_dma semaphore(%arg12 : memref<!tpu.dma_semaphore, #tpu.memory_space<semaphore_mem>>) src(%dma_wait3A_114 : memref<64x128xf32, #tpu.memory_space<vmem>>) dst(%dma_wait3A_120 : memref<10112x128xf32, #tpu.memory_space<vmem_shared>>)
        } else {
        }
        %lt3A_106 = arith.constant 13 : i32
        %lt3A_107 = arith.cmpi slt, %scan3A_76, %lt3A_106 : i32
        %convert_element_type3A_108 = arith.extui %lt3A_107 : i1 to i32
        %cond3A_109 = arith.constant 0 : i32
        %cond3A_110 = arith.cmpi ne, %convert_element_type3A_108, %cond3A_109 : i32
        scf.if %cond3A_110 {
          %add3A_111 = arith.constant 4 : i32
          %add3A_112 = arith.addi %scan3A_76, %add3A_111 : i32
          %sub3A = arith.constant 1 : i32
          %sub3A_113 = arith.subi %add3A_112, %sub3A : i32
          %add3A_114 = arith.constant 4 : i32
          %add3A_115 = arith.addi %add3A_79, %add3A_114 : i32
          %sub3A_116 = arith.constant 1 : i32
          %sub3A_117 = arith.subi %add3A_115, %sub3A_116 : i32
          %rem3A_118 = arith.constant 4 : i32
          %rem3A_119 = arith.remsi %sub3A_117, %rem3A_118 : i32
          %dma_start3A_120 = arith.constant 0 : i32
          %dma_start3A_121 = arith.constant 0 : i32
          %dma_start3A_122 = tpu.memref_slice %arg10[%rem3A_119, %dma_start3A_120, %dma_start3A_121] : memref<4x64x128xf32, #tpu.memory_space<vmem>> -> memref<1x64x128xf32, #tpu.memory_space<vmem>>
          %dma_start3A_123 = tpu.memref_squeeze %dma_start3A_122 : memref<1x64x128xf32, #tpu.memory_space<vmem>> -> memref<64x128xf32, #tpu.memory_space<vmem>>
          %dma_start3A_124 = arith.constant 0 : i32
          %dma_start3A_125 = tpu.memref_slice %arg8[%rem3A_67, %sub3A_113, %dma_start3A_124] : memref<2x16x64xi32, #tpu.memory_space<vmem>> -> memref<1x1x64xi32, #tpu.memory_space<vmem>>
          %dma_start3A_126 = tpu.memref_squeeze %dma_start3A_125 : memref<1x1x64xi32, #tpu.memory_space<vmem>> -> memref<64xi32, #tpu.memory_space<vmem>>
          %dma_start3A_127 = arith.constant 0 : i32
          %dma_start3A_128 = arith.constant 0 : i32
          %dma_start3A_129 = tpu.memref_slice %arg2[%dma_start3A_127, %dma_start3A_128] : memref<10000x128xf32, #tpu.memory_space<hbm>> -> memref<10000x128xf32, #tpu.memory_space<hbm>>
          tpu.enqueue_indirect_dma source(%dma_start3A_129 : memref<10000x128xf32, #tpu.memory_space<hbm>>) target(%dma_start3A_123 : memref<64x128xf32, #tpu.memory_space<vmem>>) offsets(%dma_start3A_126 : memref<64xi32, #tpu.memory_space<vmem>>) semaphore(%arg11 : memref<!tpu.dma_semaphore, #tpu.memory_space<semaphore_mem>>)
        } else {
        }
      }
      %scan3A_73 = arith.constant 16 : i32
      %lt3A = arith.constant 9 : i32
      %lt3A_74 = arith.cmpi slt, %scan3A_66, %lt3A : i32
      %convert_element_type3A = arith.extui %lt3A_74 : i1 to i32
      %cond3A = arith.constant 0 : i32
      %cond3A_75 = arith.cmpi ne, %convert_element_type3A, %cond3A : i32
      scf.if %cond3A_75 {
        %mul3A_76 = arith.constant 16 : i32
        %mul3A_77 = arith.muli %scan3A_66, %mul3A_76 : i32
        %add3A_78 = arith.constant 16 : i32
        %add3A_79 = arith.addi %mul3A_77, %add3A_78 : i32
        %sub3A = arith.constant 1 : i32
        %sub3A_80 = arith.subi %add3A_79, %sub3A : i32
        %rem3A_81 = arith.constant 4 : i32
        %rem3A_82 = arith.remsi %sub3A_80, %rem3A_81 : i32
        %dma_wait3A_83 = arith.constant 15 : i32
        %dma_wait3A_84 = arith.constant 0 : i32
        %dma_wait3A_85 = arith.constant 0 : i32
        %dma_wait3A_86 = tpu.memref_slice %arg10[%rem3A_82, %dma_wait3A_84, %dma_wait3A_85] : memref<4x64x128xf32, #tpu.memory_space<vmem>> -> memref<1x64x128xf32, #tpu.memory_space<vmem>>
        %dma_wait3A_87 = tpu.memref_squeeze %dma_wait3A_86 : memref<1x64x128xf32, #tpu.memory_space<vmem>> -> memref<64x128xf32, #tpu.memory_space<vmem>>
        %dma_wait3A_88 = arith.constant 0 : i32
        %dma_wait3A_89 = tpu.memref_slice %arg9[%rem3A_67, %dma_wait3A_83, %dma_wait3A_88] : memref<2x16x64xi32, #tpu.memory_space<vmem>> -> memref<1x1x64xi32, #tpu.memory_space<vmem>>
        %dma_wait3A_90 = tpu.memref_squeeze %dma_wait3A_89 : memref<1x1x64xi32, #tpu.memory_space<vmem>> -> memref<64xi32, #tpu.memory_space<vmem>>
        %dma_wait3A_91 = arith.constant 0 : i32
        %dma_wait3A_92 = arith.constant 0 : i32
        %dma_wait3A_93 = tpu.memref_slice %arg7[%dma_wait3A_91, %dma_wait3A_92] : memref<10112x128xf32, #tpu.memory_space<vmem_shared>> -> memref<10112x128xf32, #tpu.memory_space<vmem_shared>>
        tpu.wait_indirect_dma semaphore(%arg12 : memref<!tpu.dma_semaphore, #tpu.memory_space<semaphore_mem>>) src(%dma_wait3A_87 : memref<64x128xf32, #tpu.memory_space<vmem>>) dst(%dma_wait3A_93 : memref<10112x128xf32, #tpu.memory_space<vmem_shared>>)
        %add3A_94 = arith.constant 1 : i32
        %add3A_95 = arith.addi %scan3A_66, %add3A_94 : i32
        %rem3A_96 = arith.constant 2 : i32
        %rem3A_97 = arith.remsi %add3A_95, %rem3A_96 : i32
        %add3A_98 = arith.constant 1 : i32
        %add3A_99 = arith.addi %scan3A_66, %add3A_98 : i32
        %mul3A_100 = arith.constant 16 : i32
        %mul3A_101 = arith.muli %add3A_99, %mul3A_100 : i32
        %add3A_102 = arith.addi %mul3A_2, %mul3A_101 : i32
        "tpu.region"() ({
          %run_scoped3A_165 = tpu.sem_alloc : memref<!tpu.dma_semaphore, #tpu.memory_space<semaphore_mem>>
          %dma_start3A_166 = arith.constant 0 : i32
          %dma_start3A_167 = arith.constant 0 : i32
          %dma_start3A_168 = tpu.memref_slice %arg8[%rem3A_97, %dma_start3A_166, %dma_start3A_167] : memref<2x16x64xi32, #tpu.memory_space<vmem>> -> memref<1x16x64xi32, #tpu.memory_space<vmem>>
          %dma_start3A_169 = tpu.memref_squeeze %dma_start3A_168 : memref<1x16x64xi32, #tpu.memory_space<vmem>> -> memref<16x64xi32, #tpu.memory_space<vmem>>
          %dma_start3A_170 = arith.constant 0 : i32
          %dma_start3A_171 = tpu.memref_slice %arg3[%add3A_102, %dma_start3A_170] : memref<5120x64xi32, #tpu.memory_space<hbm>> -> memref<16x64xi32, #tpu.memory_space<hbm>>
          %dma_start3A_172 = arith.constant 0 : i32
          %dma_start3A_173 = arith.constant 0 : i32
          %dma_start3A_174 = tpu.memref_slice %arg8[%rem3A_97, %dma_start3A_172, %dma_start3A_173] : memref<2x16x64xi32, #tpu.memory_space<vmem>> -> memref<1x16x64xi32, #tpu.memory_space<vmem>>
          %dma_start3A_175 = tpu.memref_squeeze %dma_start3A_174 : memref<1x16x64xi32, #tpu.memory_space<vmem>> -> memref<16x64xi32, #tpu.memory_space<vmem>>
          %dma_start3A_176 = arith.constant 0 : i32
          %dma_start3A_177 = tpu.memref_slice %arg3[%add3A_102, %dma_start3A_176] : memref<5120x64xi32, #tpu.memory_space<hbm>> -> memref<16x64xi32, #tpu.memory_space<hbm>>
          tpu.enqueue_dma source(%dma_start3A_177 : memref<16x64xi32, #tpu.memory_space<hbm>>) target(%dma_start3A_175 : memref<16x64xi32, #tpu.memory_space<vmem>>) target_semaphore(%run_scoped3A_165 : memref<!tpu.dma_semaphore, #tpu.memory_space<semaphore_mem>>)
          %dma_wait3A_178 = arith.constant 0 : i32
          %dma_wait3A_179 = arith.constant 0 : i32
          %dma_wait3A_180 = tpu.memref_slice %arg8[%rem3A_97, %dma_wait3A_178, %dma_wait3A_179] : memref<2x16x64xi32, #tpu.memory_space<vmem>> -> memref<1x16x64xi32, #tpu.memory_space<vmem>>
          %dma_wait3A_181 = tpu.memref_squeeze %dma_wait3A_180 : memref<1x16x64xi32, #tpu.memory_space<vmem>> -> memref<16x64xi32, #tpu.memory_space<vmem>>
          %dma_wait3A_182 = arith.constant 0 : i32
          %dma_wait3A_183 = tpu.memref_slice %arg3[%add3A_102, %dma_wait3A_182] : memref<5120x64xi32, #tpu.memory_space<hbm>> -> memref<16x64xi32, #tpu.memory_space<hbm>>
          %dma_wait3A_184 = arith.constant 0 : i32
          %dma_wait3A_185 = arith.constant 0 : i32
          %dma_wait3A_186 = tpu.memref_slice %arg8[%rem3A_97, %dma_wait3A_184, %dma_wait3A_185] : memref<2x16x64xi32, #tpu.memory_space<vmem>> -> memref<1x16x64xi32, #tpu.memory_space<vmem>>
          %dma_wait3A_187 = tpu.memref_squeeze %dma_wait3A_186 : memref<1x16x64xi32, #tpu.memory_space<vmem>> -> memref<16x64xi32, #tpu.memory_space<vmem>>
          %dma_wait3A_188 = arith.constant 0 : i32
          %dma_wait3A_189 = tpu.memref_slice %arg3[%add3A_102, %dma_wait3A_188] : memref<5120x64xi32, #tpu.memory_space<hbm>> -> memref<16x64xi32, #tpu.memory_space<hbm>>
          tpu.wait_dma2 semaphore(%run_scoped3A_165 : memref<!tpu.dma_semaphore, #tpu.memory_space<semaphore_mem>>) src(%dma_wait3A_189 : memref<16x64xi32, #tpu.memory_space<hbm>>) dst(%dma_wait3A_187 : memref<16x64xi32, #tpu.memory_space<vmem>>)
          tpu.yield
        }) : () -> ()
        %add3A_103 = arith.constant 1 : i32
        %add3A_104 = arith.addi %scan3A_66, %add3A_103 : i32
        %mul3A_105 = arith.constant 16 : i32
        %mul3A_106 = arith.muli %add3A_104, %mul3A_105 : i32
        %add3A_107 = arith.addi %mul3A_2, %mul3A_106 : i32
        "tpu.region"() ({
          %run_scoped3A_165 = tpu.sem_alloc : memref<!tpu.dma_semaphore, #tpu.memory_space<semaphore_mem>>
          %dma_start3A_166 = arith.constant 0 : i32
          %dma_start3A_167 = arith.constant 0 : i32
          %dma_start3A_168 = tpu.memref_slice %arg9[%rem3A_97, %dma_start3A_166, %dma_start3A_167] : memref<2x16x64xi32, #tpu.memory_space<vmem>> -> memref<1x16x64xi32, #tpu.memory_space<vmem>>
          %dma_start3A_169 = tpu.memref_squeeze %dma_start3A_168 : memref<1x16x64xi32, #tpu.memory_space<vmem>> -> memref<16x64xi32, #tpu.memory_space<vmem>>
          %dma_start3A_170 = arith.constant 0 : i32
          %dma_start3A_171 = tpu.memref_slice %arg4[%add3A_107, %dma_start3A_170] : memref<5120x64xi32, #tpu.memory_space<hbm>> -> memref<16x64xi32, #tpu.memory_space<hbm>>
          %dma_start3A_172 = arith.constant 0 : i32
          %dma_start3A_173 = arith.constant 0 : i32
          %dma_start3A_174 = tpu.memref_slice %arg9[%rem3A_97, %dma_start3A_172, %dma_start3A_173] : memref<2x16x64xi32, #tpu.memory_space<vmem>> -> memref<1x16x64xi32, #tpu.memory_space<vmem>>
          %dma_start3A_175 = tpu.memref_squeeze %dma_start3A_174 : memref<1x16x64xi32, #tpu.memory_space<vmem>> -> memref<16x64xi32, #tpu.memory_space<vmem>>
          %dma_start3A_176 = arith.constant 0 : i32
          %dma_start3A_177 = tpu.memref_slice %arg4[%add3A_107, %dma_start3A_176] : memref<5120x64xi32, #tpu.memory_space<hbm>> -> memref<16x64xi32, #tpu.memory_space<hbm>>
          tpu.enqueue_dma source(%dma_start3A_177 : memref<16x64xi32, #tpu.memory_space<hbm>>) target(%dma_start3A_175 : memref<16x64xi32, #tpu.memory_space<vmem>>) target_semaphore(%run_scoped3A_165 : memref<!tpu.dma_semaphore, #tpu.memory_space<semaphore_mem>>)
          %dma_wait3A_178 = arith.constant 0 : i32
          %dma_wait3A_179 = arith.constant 0 : i32
          %dma_wait3A_180 = tpu.memref_slice %arg9[%rem3A_97, %dma_wait3A_178, %dma_wait3A_179] : memref<2x16x64xi32, #tpu.memory_space<vmem>> -> memref<1x16x64xi32, #tpu.memory_space<vmem>>
          %dma_wait3A_181 = tpu.memref_squeeze %dma_wait3A_180 : memref<1x16x64xi32, #tpu.memory_space<vmem>> -> memref<16x64xi32, #tpu.memory_space<vmem>>
          %dma_wait3A_182 = arith.constant 0 : i32
          %dma_wait3A_183 = tpu.memref_slice %arg4[%add3A_107, %dma_wait3A_182] : memref<5120x64xi32, #tpu.memory_space<hbm>> -> memref<16x64xi32, #tpu.memory_space<hbm>>
          %dma_wait3A_184 = arith.constant 0 : i32
          %dma_wait3A_185 = arith.constant 0 : i32
          %dma_wait3A_186 = tpu.memref_slice %arg9[%rem3A_97, %dma_wait3A_184, %dma_wait3A_185] : memref<2x16x64xi32, #tpu.memory_space<vmem>> -> memref<1x16x64xi32, #tpu.memory_space<vmem>>
          %dma_wait3A_187 = tpu.memref_squeeze %dma_wait3A_186 : memref<1x16x64xi32, #tpu.memory_space<vmem>> -> memref<16x64xi32, #tpu.memory_space<vmem>>
          %dma_wait3A_188 = arith.constant 0 : i32
          %dma_wait3A_189 = tpu.memref_slice %arg4[%add3A_107, %dma_wait3A_188] : memref<5120x64xi32, #tpu.memory_space<hbm>> -> memref<16x64xi32, #tpu.memory_space<hbm>>
          tpu.wait_dma2 semaphore(%run_scoped3A_165 : memref<!tpu.dma_semaphore, #tpu.memory_space<semaphore_mem>>) src(%dma_wait3A_189 : memref<16x64xi32, #tpu.memory_space<hbm>>) dst(%dma_wait3A_187 : memref<16x64xi32, #tpu.memory_space<vmem>>)
          tpu.yield
        }) : () -> ()
        %add3A_108 = arith.constant 1 : i32
        %add3A_109 = arith.addi %scan3A_66, %add3A_108 : i32
        %mul3A_110 = arith.constant 16 : i32
        %mul3A_111 = arith.muli %add3A_109, %mul3A_110 : i32
        %add3A_112 = arith.constant 0 : i32
        %add3A_113 = arith.addi %mul3A_111, %add3A_112 : i32
        %rem3A_114 = arith.constant 4 : i32
        %rem3A_115 = arith.remsi %add3A_113, %rem3A_114 : i32
        %dma_start3A_116 = arith.constant 0 : i32
        %dma_start3A_117 = arith.constant 0 : i32
        %dma_start3A_118 = arith.constant 0 : i32
        %dma_start3A_119 = tpu.memref_slice %arg10[%rem3A_115, %dma_start3A_117, %dma_start3A_118] : memref<4x64x128xf32, #tpu.memory_space<vmem>> -> memref<1x64x128xf32, #tpu.memory_space<vmem>>
        %dma_start3A_120 = tpu.memref_squeeze %dma_start3A_119 : memref<1x64x128xf32, #tpu.memory_space<vmem>> -> memref<64x128xf32, #tpu.memory_space<vmem>>
        %dma_start3A_121 = arith.constant 0 : i32
        %dma_start3A_122 = tpu.memref_slice %arg8[%rem3A_97, %dma_start3A_116, %dma_start3A_121] : memref<2x16x64xi32, #tpu.memory_space<vmem>> -> memref<1x1x64xi32, #tpu.memory_space<vmem>>
        %dma_start3A_123 = tpu.memref_squeeze %dma_start3A_122 : memref<1x1x64xi32, #tpu.memory_space<vmem>> -> memref<64xi32, #tpu.memory_space<vmem>>
        %dma_start3A_124 = arith.constant 0 : i32
        %dma_start3A_125 = arith.constant 0 : i32
        %dma_start3A_126 = tpu.memref_slice %arg2[%dma_start3A_124, %dma_start3A_125] : memref<10000x128xf32, #tpu.memory_space<hbm>> -> memref<10000x128xf32, #tpu.memory_space<hbm>>
        tpu.enqueue_indirect_dma source(%dma_start3A_126 : memref<10000x128xf32, #tpu.memory_space<hbm>>) target(%dma_start3A_120 : memref<64x128xf32, #tpu.memory_space<vmem>>) offsets(%dma_start3A_123 : memref<64xi32, #tpu.memory_space<vmem>>) semaphore(%arg11 : memref<!tpu.dma_semaphore, #tpu.memory_space<semaphore_mem>>)
        %add3A_127 = arith.constant 1 : i32
        %add3A_128 = arith.addi %scan3A_66, %add3A_127 : i32
        %mul3A_129 = arith.constant 16 : i32
        %mul3A_130 = arith.muli %add3A_128, %mul3A_129 : i32
        %add3A_131 = arith.constant 1 : i32
        %add3A_132 = arith.addi %mul3A_130, %add3A_131 : i32
        %rem3A_133 = arith.constant 4 : i32
        %rem3A_134 = arith.remsi %add3A_132, %rem3A_133 : i32
        %dma_start3A_135 = arith.constant 1 : i32
        %dma_start3A_136 = arith.constant 0 : i32
        %dma_start3A_137 = arith.constant 0 : i32
        %dma_start3A_138 = tpu.memref_slice %arg10[%rem3A_134, %dma_start3A_136, %dma_start3A_137] : memref<4x64x128xf32, #tpu.memory_space<vmem>> -> memref<1x64x128xf32, #tpu.memory_space<vmem>>
        %dma_start3A_139 = tpu.memref_squeeze %dma_start3A_138 : memref<1x64x128xf32, #tpu.memory_space<vmem>> -> memref<64x128xf32, #tpu.memory_space<vmem>>
        %dma_start3A_140 = arith.constant 0 : i32
        %dma_start3A_141 = tpu.memref_slice %arg8[%rem3A_97, %dma_start3A_135, %dma_start3A_140] : memref<2x16x64xi32, #tpu.memory_space<vmem>> -> memref<1x1x64xi32, #tpu.memory_space<vmem>>
        %dma_start3A_142 = tpu.memref_squeeze %dma_start3A_141 : memref<1x1x64xi32, #tpu.memory_space<vmem>> -> memref<64xi32, #tpu.memory_space<vmem>>
        %dma_start3A_143 = arith.constant 0 : i32
        %dma_start3A_144 = arith.constant 0 : i32
        %dma_start3A_145 = tpu.memref_slice %arg2[%dma_start3A_143, %dma_start3A_144] : memref<10000x128xf32, #tpu.memory_space<hbm>> -> memref<10000x128xf32, #tpu.memory_space<hbm>>
        tpu.enqueue_indirect_dma source(%dma_start3A_145 : memref<10000x128xf32, #tpu.memory_space<hbm>>) target(%dma_start3A_139 : memref<64x128xf32, #tpu.memory_space<vmem>>) offsets(%dma_start3A_142 : memref<64xi32, #tpu.memory_space<vmem>>) semaphore(%arg11 : memref<!tpu.dma_semaphore, #tpu.memory_space<semaphore_mem>>)
        %add3A_146 = arith.constant 1 : i32
        %add3A_147 = arith.addi %scan3A_66, %add3A_146 : i32
        %mul3A_148 = arith.constant 16 : i32
        %mul3A_149 = arith.muli %add3A_147, %mul3A_148 : i32
        %add3A_150 = arith.constant 2 : i32
        %add3A_151 = arith.addi %mul3A_149, %add3A_150 : i32
        %rem3A_152 = arith.constant 4 : i32
        %rem3A_153 = arith.remsi %add3A_151, %rem3A_152 : i32
        %dma_start3A_154 = arith.constant 2 : i32
        %dma_start3A_155 = arith.constant 0 : i32
        %dma_start3A_156 = arith.constant 0 : i32
        %dma_start3A_157 = tpu.memref_slice %arg10[%rem3A_153, %dma_start3A_155, %dma_start3A_156] : memref<4x64x128xf32, #tpu.memory_space<vmem>> -> memref<1x64x128xf32, #tpu.memory_space<vmem>>
        %dma_start3A_158 = tpu.memref_squeeze %dma_start3A_157 : memref<1x64x128xf32, #tpu.memory_space<vmem>> -> memref<64x128xf32, #tpu.memory_space<vmem>>
        %dma_start3A_159 = arith.constant 0 : i32
        %dma_start3A_160 = tpu.memref_slice %arg8[%rem3A_97, %dma_start3A_154, %dma_start3A_159] : memref<2x16x64xi32, #tpu.memory_space<vmem>> -> memref<1x1x64xi32, #tpu.memory_space<vmem>>
        %dma_start3A_161 = tpu.memref_squeeze %dma_start3A_160 : memref<1x1x64xi32, #tpu.memory_space<vmem>> -> memref<64xi32, #tpu.memory_space<vmem>>
        %dma_start3A_162 = arith.constant 0 : i32
        %dma_start3A_163 = arith.constant 0 : i32
        %dma_start3A_164 = tpu.memref_slice %arg2[%dma_start3A_162, %dma_start3A_163] : memref<10000x128xf32, #tpu.memory_space<hbm>> -> memref<10000x128xf32, #tpu.memory_space<hbm>>
        tpu.enqueue_indirect_dma source(%dma_start3A_164 : memref<10000x128xf32, #tpu.memory_space<hbm>>) target(%dma_start3A_158 : memref<64x128xf32, #tpu.memory_space<vmem>>) offsets(%dma_start3A_161 : memref<64xi32, #tpu.memory_space<vmem>>) semaphore(%arg11 : memref<!tpu.dma_semaphore, #tpu.memory_space<semaphore_mem>>)
      } else {
      }
    }
    %scan3A_48 = arith.constant 10 : i32
    %dma_wait3A = arith.constant 3 : i32
    %dma_wait3A_49 = arith.constant 1 : i32
    %dma_wait3A_50 = arith.constant 15 : i32
    %dma_wait3A_51 = arith.constant 0 : i32
    %dma_wait3A_52 = arith.constant 0 : i32
    %dma_wait3A_53 = tpu.memref_slice %arg10[%dma_wait3A, %dma_wait3A_51, %dma_wait3A_52] : memref<4x64x128xf32, #tpu.memory_space<vmem>> -> memref<1x64x128xf32, #tpu.memory_space<vmem>>
    %dma_wait3A_54 = tpu.memref_squeeze %dma_wait3A_53 : memref<1x64x128xf32, #tpu.memory_space<vmem>> -> memref<64x128xf32, #tpu.memory_space<vmem>>
    %dma_wait3A_55 = arith.constant 0 : i32
    %dma_wait3A_56 = tpu.memref_slice %arg9[%dma_wait3A_49, %dma_wait3A_50, %dma_wait3A_55] : memref<2x16x64xi32, #tpu.memory_space<vmem>> -> memref<1x1x64xi32, #tpu.memory_space<vmem>>
    %dma_wait3A_57 = tpu.memref_squeeze %dma_wait3A_56 : memref<1x1x64xi32, #tpu.memory_space<vmem>> -> memref<64xi32, #tpu.memory_space<vmem>>
    %dma_wait3A_58 = arith.constant 0 : i32
    %dma_wait3A_59 = arith.constant 0 : i32
    %dma_wait3A_60 = tpu.memref_slice %arg7[%dma_wait3A_58, %dma_wait3A_59] : memref<10112x128xf32, #tpu.memory_space<vmem_shared>> -> memref<10112x128xf32, #tpu.memory_space<vmem_shared>>
    tpu.wait_indirect_dma semaphore(%arg12 : memref<!tpu.dma_semaphore, #tpu.memory_space<semaphore_mem>>) src(%dma_wait3A_54 : memref<64x128xf32, #tpu.memory_space<vmem>>) dst(%dma_wait3A_60 : memref<10112x128xf32, #tpu.memory_space<vmem_shared>>)
    %barrier3A_61 = arith.constant 0 : index
    tpu.barrier barrier_id(%barrier3A_61)
    %mul3A_62 = arith.constant 632 : i32
    %mul3A_63 = arith.muli %arg1, %mul3A_62 : i32
    %mul3A_64 = arith.constant 632 : i32
    %mul3A_65 = arith.muli %arg1, %mul3A_64 : i32
    "tpu.region"() ({
      %run_scoped3A_66 = tpu.sem_alloc : memref<!tpu.dma_semaphore, #tpu.memory_space<semaphore_mem>>
      %dma_start3A_67 = arith.constant 0 : i32
      %dma_start3A_68 = tpu.memref_slice %arg6[%arg0, %mul3A_65, %dma_start3A_67] : memref<2x10112x128xf32, #tpu.memory_space<hbm>> -> memref<1x632x128xf32, #tpu.memory_space<hbm>>
      %dma_start3A_69 = tpu.memref_squeeze %dma_start3A_68 : memref<1x632x128xf32, #tpu.memory_space<hbm>> -> memref<632x128xf32, #tpu.memory_space<hbm>>
      %dma_start3A_70 = arith.constant 0 : i32
      %dma_start3A_71 = tpu.memref_slice %arg7[%mul3A_63, %dma_start3A_70] : memref<10112x128xf32, #tpu.memory_space<vmem_shared>> -> memref<632x128xf32, #tpu.memory_space<vmem_shared>>
      tpu.enqueue_dma source(%dma_start3A_71 : memref<632x128xf32, #tpu.memory_space<vmem_shared>>) target(%dma_start3A_69 : memref<632x128xf32, #tpu.memory_space<hbm>>) target_semaphore(%run_scoped3A_66 : memref<!tpu.dma_semaphore, #tpu.memory_space<semaphore_mem>>)
      %dma_wait3A_72 = arith.constant 0 : i32
      %dma_wait3A_73 = tpu.memref_slice %arg6[%arg0, %mul3A_65, %dma_wait3A_72] : memref<2x10112x128xf32, #tpu.memory_space<hbm>> -> memref<1x632x128xf32, #tpu.memory_space<hbm>>
      %dma_wait3A_74 = tpu.memref_squeeze %dma_wait3A_73 : memref<1x632x128xf32, #tpu.memory_space<hbm>> -> memref<632x128xf32, #tpu.memory_space<hbm>>
      %dma_wait3A_75 = arith.constant 0 : i32
      %dma_wait3A_76 = tpu.memref_slice %arg7[%mul3A_63, %dma_wait3A_75] : memref<10112x128xf32, #tpu.memory_space<vmem_shared>> -> memref<632x128xf32, #tpu.memory_space<vmem_shared>>
      tpu.wait_dma2 semaphore(%run_scoped3A_66 : memref<!tpu.dma_semaphore, #tpu.memory_space<semaphore_mem>>) src(%dma_wait3A_76 : memref<632x128xf32, #tpu.memory_space<vmem_shared>>) dst(%dma_wait3A_74 : memref<632x128xf32, #tpu.memory_space<hbm>>)
      tpu.yield
    }) : () -> ()
    return
  }
}

#map = affine_map<(d0, d1) -> (0, 0)>
#map1 = affine_map<(d0, d1) -> (0, 0, 0)>
module attributes {stable_mosaic.version = 14 : i64} {
  func.func @_sc_agg_body(%arg0: i32, %arg1: i32, %arg2: memref<10000x128xf32, #tpu.memory_space<hbm>>, %arg3: memref<5120x64xi32, #tpu.memory_space<hbm>>, %arg4: memref<5120x64xi32, #tpu.memory_space<hbm>>, %arg5: memref<632x128xf32, #tpu.memory_space<hbm>>, %arg6: memref<2x10112x128xf32, #tpu.memory_space<hbm>>, %arg7: memref<10112x128xf32, #tpu.memory_space<vmem_shared>>, %arg8: memref<2x16x64xi32, #tpu.memory_space<vmem>>, %arg9: memref<2x16x64xi32, #tpu.memory_space<vmem>>, %arg10: memref<4x64x128xf32, #tpu.memory_space<vmem>>, %arg11: memref<!tpu.dma_semaphore, #tpu.memory_space<semaphore_mem>>, %arg12: memref<!tpu.dma_semaphore, #tpu.memory_space<semaphore_mem>>) attributes {dimension_semantics = [#tpu.dimension_semantics<core_parallel>, #tpu.dimension_semantics<subcore_parallel>], iteration_bounds = array<i64: 2, 16>, scalar_prefetch = 0 : i64, scratch_operands = 6 : i64, tpu.core_type = #tpu.core_type<sc_vector_subcore>, window_params = [{transform_indices = #map}, {transform_indices = #map}, {transform_indices = #map}, {transform_indices = #map}, {transform_indices = #map1}]} {
    %mul3A = arith.constant 16 : i32
    %mul3A_0 = arith.muli %arg0, %mul3A : i32
    %add3A = arith.addi %mul3A_0, %arg1 : i32
    %mul3A_1 = arith.constant 160 : i32
    %mul3A_2 = arith.muli %add3A, %mul3A_1 : i32
    %mul3A_3 = arith.constant 632 : i32
    %mul3A_4 = arith.muli %arg1, %mul3A_3 : i32
    "tpu.region"() ({
      %run_scoped3A_66 = tpu.sem_alloc : memref<!tpu.dma_semaphore, #tpu.memory_space<semaphore_mem>>
      %dma_start3A_67 = arith.constant 0 : i32
      %dma_start3A_68 = tpu.memref_slice %arg7[%mul3A_4, %dma_start3A_67] : memref<10112x128xf32, #tpu.memory_space<vmem_shared>> -> memref<632x128xf32, #tpu.memory_space<vmem_shared>>
      tpu.enqueue_dma source(%arg5 : memref<632x128xf32, #tpu.memory_space<hbm>>) target(%dma_start3A_68 : memref<632x128xf32, #tpu.memory_space<vmem_shared>>) target_semaphore(%run_scoped3A_66 : memref<!tpu.dma_semaphore, #tpu.memory_space<semaphore_mem>>)
      %dma_wait3A_69 = arith.constant 0 : i32
      %dma_wait3A_70 = tpu.memref_slice %arg7[%mul3A_4, %dma_wait3A_69] : memref<10112x128xf32, #tpu.memory_space<vmem_shared>> -> memref<632x128xf32, #tpu.memory_space<vmem_shared>>
      tpu.wait_dma2 semaphore(%run_scoped3A_66 : memref<!tpu.dma_semaphore, #tpu.memory_space<semaphore_mem>>) src(%arg5 : memref<632x128xf32, #tpu.memory_space<hbm>>) dst(%dma_wait3A_70 : memref<632x128xf32, #tpu.memory_space<vmem_shared>>)
      tpu.yield
    }) : () -> ()
    %run_scoped3A = arith.constant 0 : i32
    "tpu.region"() ({
      %run_scoped3A_66 = tpu.sem_alloc : memref<!tpu.dma_semaphore, #tpu.memory_space<semaphore_mem>>
      %dma_start3A_67 = arith.constant 0 : i32
      %dma_start3A_68 = arith.constant 0 : i32
      %dma_start3A_69 = tpu.memref_slice %arg8[%run_scoped3A, %dma_start3A_67, %dma_start3A_68] : memref<2x16x64xi32, #tpu.memory_space<vmem>> -> memref<1x16x64xi32, #tpu.memory_space<vmem>>
      %dma_start3A_70 = tpu.memref_squeeze %dma_start3A_69 : memref<1x16x64xi32, #tpu.memory_space<vmem>> -> memref<16x64xi32, #tpu.memory_space<vmem>>
      %dma_start3A_71 = arith.constant 0 : i32
      %dma_start3A_72 = tpu.memref_slice %arg3[%mul3A_2, %dma_start3A_71] : memref<5120x64xi32, #tpu.memory_space<hbm>> -> memref<16x64xi32, #tpu.memory_space<hbm>>
      %dma_start3A_73 = arith.constant 0 : i32
      %dma_start3A_74 = arith.constant 0 : i32
      %dma_start3A_75 = tpu.memref_slice %arg8[%run_scoped3A, %dma_start3A_73, %dma_start3A_74] : memref<2x16x64xi32, #tpu.memory_space<vmem>> -> memref<1x16x64xi32, #tpu.memory_space<vmem>>
      %dma_start3A_76 = tpu.memref_squeeze %dma_start3A_75 : memref<1x16x64xi32, #tpu.memory_space<vmem>> -> memref<16x64xi32, #tpu.memory_space<vmem>>
      %dma_start3A_77 = arith.constant 0 : i32
      %dma_start3A_78 = tpu.memref_slice %arg3[%mul3A_2, %dma_start3A_77] : memref<5120x64xi32, #tpu.memory_space<hbm>> -> memref<16x64xi32, #tpu.memory_space<hbm>>
      tpu.enqueue_dma source(%dma_start3A_78 : memref<16x64xi32, #tpu.memory_space<hbm>>) target(%dma_start3A_76 : memref<16x64xi32, #tpu.memory_space<vmem>>) target_semaphore(%run_scoped3A_66 : memref<!tpu.dma_semaphore, #tpu.memory_space<semaphore_mem>>)
      %dma_wait3A_79 = arith.constant 0 : i32
      %dma_wait3A_80 = arith.constant 0 : i32
      %dma_wait3A_81 = tpu.memref_slice %arg8[%run_scoped3A, %dma_wait3A_79, %dma_wait3A_80] : memref<2x16x64xi32, #tpu.memory_space<vmem>> -> memref<1x16x64xi32, #tpu.memory_space<vmem>>
      %dma_wait3A_82 = tpu.memref_squeeze %dma_wait3A_81 : memref<1x16x64xi32, #tpu.memory_space<vmem>> -> memref<16x64xi32, #tpu.memory_space<vmem>>
      %dma_wait3A_83 = arith.constant 0 : i32
      %dma_wait3A_84 = tpu.memref_slice %arg3[%mul3A_2, %dma_wait3A_83] : memref<5120x64xi32, #tpu.memory_space<hbm>> -> memref<16x64xi32, #tpu.memory_space<hbm>>
      %dma_wait3A_85 = arith.constant 0 : i32
      %dma_wait3A_86 = arith.constant 0 : i32
      %dma_wait3A_87 = tpu.memref_slice %arg8[%run_scoped3A, %dma_wait3A_85, %dma_wait3A_86] : memref<2x16x64xi32, #tpu.memory_space<vmem>> -> memref<1x16x64xi32, #tpu.memory_space<vmem>>
      %dma_wait3A_88 = tpu.memref_squeeze %dma_wait3A_87 : memref<1x16x64xi32, #tpu.memory_space<vmem>> -> memref<16x64xi32, #tpu.memory_space<vmem>>
      %dma_wait3A_89 = arith.constant 0 : i32
      %dma_wait3A_90 = tpu.memref_slice %arg3[%mul3A_2, %dma_wait3A_89] : memref<5120x64xi32, #tpu.memory_space<hbm>> -> memref<16x64xi32, #tpu.memory_space<hbm>>
      tpu.wait_dma2 semaphore(%run_scoped3A_66 : memref<!tpu.dma_semaphore, #tpu.memory_space<semaphore_mem>>) src(%dma_wait3A_90 : memref<16x64xi32, #tpu.memory_space<hbm>>) dst(%dma_wait3A_88 : memref<16x64xi32, #tpu.memory_space<vmem>>)
      tpu.yield
    }) : () -> ()
    %run_scoped3A_5 = arith.constant 0 : i32
    "tpu.region"() ({
      %run_scoped3A_66 = tpu.sem_alloc : memref<!tpu.dma_semaphore, #tpu.memory_space<semaphore_mem>>
      %dma_start3A_67 = arith.constant 0 : i32
      %dma_start3A_68 = arith.constant 0 : i32
      %dma_start3A_69 = tpu.memref_slice %arg9[%run_scoped3A_5, %dma_start3A_67, %dma_start3A_68] : memref<2x16x64xi32, #tpu.memory_space<vmem>> -> memref<1x16x64xi32, #tpu.memory_space<vmem>>
      %dma_start3A_70 = tpu.memref_squeeze %dma_start3A_69 : memref<1x16x64xi32, #tpu.memory_space<vmem>> -> memref<16x64xi32, #tpu.memory_space<vmem>>
      %dma_start3A_71 = arith.constant 0 : i32
      %dma_start3A_72 = tpu.memref_slice %arg4[%mul3A_2, %dma_start3A_71] : memref<5120x64xi32, #tpu.memory_space<hbm>> -> memref<16x64xi32, #tpu.memory_space<hbm>>
      %dma_start3A_73 = arith.constant 0 : i32
      %dma_start3A_74 = arith.constant 0 : i32
      %dma_start3A_75 = tpu.memref_slice %arg9[%run_scoped3A_5, %dma_start3A_73, %dma_start3A_74] : memref<2x16x64xi32, #tpu.memory_space<vmem>> -> memref<1x16x64xi32, #tpu.memory_space<vmem>>
      %dma_start3A_76 = tpu.memref_squeeze %dma_start3A_75 : memref<1x16x64xi32, #tpu.memory_space<vmem>> -> memref<16x64xi32, #tpu.memory_space<vmem>>
      %dma_start3A_77 = arith.constant 0 : i32
      %dma_start3A_78 = tpu.memref_slice %arg4[%mul3A_2, %dma_start3A_77] : memref<5120x64xi32, #tpu.memory_space<hbm>> -> memref<16x64xi32, #tpu.memory_space<hbm>>
      tpu.enqueue_dma source(%dma_start3A_78 : memref<16x64xi32, #tpu.memory_space<hbm>>) target(%dma_start3A_76 : memref<16x64xi32, #tpu.memory_space<vmem>>) target_semaphore(%run_scoped3A_66 : memref<!tpu.dma_semaphore, #tpu.memory_space<semaphore_mem>>)
      %dma_wait3A_79 = arith.constant 0 : i32
      %dma_wait3A_80 = arith.constant 0 : i32
      %dma_wait3A_81 = tpu.memref_slice %arg9[%run_scoped3A_5, %dma_wait3A_79, %dma_wait3A_80] : memref<2x16x64xi32, #tpu.memory_space<vmem>> -> memref<1x16x64xi32, #tpu.memory_space<vmem>>
      %dma_wait3A_82 = tpu.memref_squeeze %dma_wait3A_81 : memref<1x16x64xi32, #tpu.memory_space<vmem>> -> memref<16x64xi32, #tpu.memory_space<vmem>>
      %dma_wait3A_83 = arith.constant 0 : i32
      %dma_wait3A_84 = tpu.memref_slice %arg4[%mul3A_2, %dma_wait3A_83] : memref<5120x64xi32, #tpu.memory_space<hbm>> -> memref<16x64xi32, #tpu.memory_space<hbm>>
      %dma_wait3A_85 = arith.constant 0 : i32
      %dma_wait3A_86 = arith.constant 0 : i32
      %dma_wait3A_87 = tpu.memref_slice %arg9[%run_scoped3A_5, %dma_wait3A_85, %dma_wait3A_86] : memref<2x16x64xi32, #tpu.memory_space<vmem>> -> memref<1x16x64xi32, #tpu.memory_space<vmem>>
      %dma_wait3A_88 = tpu.memref_squeeze %dma_wait3A_87 : memref<1x16x64xi32, #tpu.memory_space<vmem>> -> memref<16x64xi32, #tpu.memory_space<vmem>>
      %dma_wait3A_89 = arith.constant 0 : i32
      %dma_wait3A_90 = tpu.memref_slice %arg4[%mul3A_2, %dma_wait3A_89] : memref<5120x64xi32, #tpu.memory_space<hbm>> -> memref<16x64xi32, #tpu.memory_space<hbm>>
      tpu.wait_dma2 semaphore(%run_scoped3A_66 : memref<!tpu.dma_semaphore, #tpu.memory_space<semaphore_mem>>) src(%dma_wait3A_90 : memref<16x64xi32, #tpu.memory_space<hbm>>) dst(%dma_wait3A_88 : memref<16x64xi32, #tpu.memory_space<vmem>>)
      tpu.yield
    }) : () -> ()
    %barrier3A = arith.constant 0 : index
    tpu.barrier barrier_id(%barrier3A)
    %dma_start3A = arith.constant 0 : i32
    %dma_start3A_6 = arith.constant 0 : i32
    %dma_start3A_7 = arith.constant 0 : i32
    %dma_start3A_8 = arith.constant 0 : i32
    %dma_start3A_9 = arith.constant 0 : i32
    %dma_start3A_10 = tpu.memref_slice %arg10[%dma_start3A_7, %dma_start3A_8, %dma_start3A_9] : memref<4x64x128xf32, #tpu.memory_space<vmem>> -> memref<1x64x128xf32, #tpu.memory_space<vmem>>
    %dma_start3A_11 = tpu.memref_squeeze %dma_start3A_10 : memref<1x64x128xf32, #tpu.memory_space<vmem>> -> memref<64x128xf32, #tpu.memory_space<vmem>>
    %dma_start3A_12 = arith.constant 0 : i32
    %dma_start3A_13 = tpu.memref_slice %arg8[%dma_start3A, %dma_start3A_6, %dma_start3A_12] : memref<2x16x64xi32, #tpu.memory_space<vmem>> -> memref<1x1x64xi32, #tpu.memory_space<vmem>>
    %dma_start3A_14 = tpu.memref_squeeze %dma_start3A_13 : memref<1x1x64xi32, #tpu.memory_space<vmem>> -> memref<64xi32, #tpu.memory_space<vmem>>
    %dma_start3A_15 = arith.constant 0 : i32
    %dma_start3A_16 = arith.constant 0 : i32
    %dma_start3A_17 = tpu.memref_slice %arg2[%dma_start3A_15, %dma_start3A_16] : memref<10000x128xf32, #tpu.memory_space<hbm>> -> memref<10000x128xf32, #tpu.memory_space<hbm>>
    tpu.enqueue_indirect_dma source(%dma_start3A_17 : memref<10000x128xf32, #tpu.memory_space<hbm>>) target(%dma_start3A_11 : memref<64x128xf32, #tpu.memory_space<vmem>>) offsets(%dma_start3A_14 : memref<64xi32, #tpu.memory_space<vmem>>) semaphore(%arg11 : memref<!tpu.dma_semaphore, #tpu.memory_space<semaphore_mem>>)
    %dma_start3A_18 = arith.constant 0 : i32
    %dma_start3A_19 = arith.constant 1 : i32
    %dma_start3A_20 = arith.constant 1 : i32
    %dma_start3A_21 = arith.constant 0 : i32
    %dma_start3A_22 = arith.constant 0 : i32
    %dma_start3A_23 = tpu.memref_slice %arg10[%dma_start3A_20, %dma_start3A_21, %dma_start3A_22] : memref<4x64x128xf32, #tpu.memory_space<vmem>> -> memref<1x64x128xf32, #tpu.memory_space<vmem>>
    %dma_start3A_24 = tpu.memref_squeeze %dma_start3A_23 : memref<1x64x128xf32, #tpu.memory_space<vmem>> -> memref<64x128xf32, #tpu.memory_space<vmem>>
    %dma_start3A_25 = arith.constant 0 : i32
    %dma_start3A_26 = tpu.memref_slice %arg8[%dma_start3A_18, %dma_start3A_19, %dma_start3A_25] : memref<2x16x64xi32, #tpu.memory_space<vmem>> -> memref<1x1x64xi32, #tpu.memory_space<vmem>>
    %dma_start3A_27 = tpu.memref_squeeze %dma_start3A_26 : memref<1x1x64xi32, #tpu.memory_space<vmem>> -> memref<64xi32, #tpu.memory_space<vmem>>
    %dma_start3A_28 = arith.constant 0 : i32
    %dma_start3A_29 = arith.constant 0 : i32
    %dma_start3A_30 = tpu.memref_slice %arg2[%dma_start3A_28, %dma_start3A_29] : memref<10000x128xf32, #tpu.memory_space<hbm>> -> memref<10000x128xf32, #tpu.memory_space<hbm>>
    tpu.enqueue_indirect_dma source(%dma_start3A_30 : memref<10000x128xf32, #tpu.memory_space<hbm>>) target(%dma_start3A_24 : memref<64x128xf32, #tpu.memory_space<vmem>>) offsets(%dma_start3A_27 : memref<64xi32, #tpu.memory_space<vmem>>) semaphore(%arg11 : memref<!tpu.dma_semaphore, #tpu.memory_space<semaphore_mem>>)
    %dma_start3A_31 = arith.constant 0 : i32
    %dma_start3A_32 = arith.constant 2 : i32
    %dma_start3A_33 = arith.constant 2 : i32
    %dma_start3A_34 = arith.constant 0 : i32
    %dma_start3A_35 = arith.constant 0 : i32
    %dma_start3A_36 = tpu.memref_slice %arg10[%dma_start3A_33, %dma_start3A_34, %dma_start3A_35] : memref<4x64x128xf32, #tpu.memory_space<vmem>> -> memref<1x64x128xf32, #tpu.memory_space<vmem>>
    %dma_start3A_37 = tpu.memref_squeeze %dma_start3A_36 : memref<1x64x128xf32, #tpu.memory_space<vmem>> -> memref<64x128xf32, #tpu.memory_space<vmem>>
    %dma_start3A_38 = arith.constant 0 : i32
    %dma_start3A_39 = tpu.memref_slice %arg8[%dma_start3A_31, %dma_start3A_32, %dma_start3A_38] : memref<2x16x64xi32, #tpu.memory_space<vmem>> -> memref<1x1x64xi32, #tpu.memory_space<vmem>>
    %dma_start3A_40 = tpu.memref_squeeze %dma_start3A_39 : memref<1x1x64xi32, #tpu.memory_space<vmem>> -> memref<64xi32, #tpu.memory_space<vmem>>
    %dma_start3A_41 = arith.constant 0 : i32
    %dma_start3A_42 = arith.constant 0 : i32
    %dma_start3A_43 = tpu.memref_slice %arg2[%dma_start3A_41, %dma_start3A_42] : memref<10000x128xf32, #tpu.memory_space<hbm>> -> memref<10000x128xf32, #tpu.memory_space<hbm>>
    tpu.enqueue_indirect_dma source(%dma_start3A_43 : memref<10000x128xf32, #tpu.memory_space<hbm>>) target(%dma_start3A_37 : memref<64x128xf32, #tpu.memory_space<vmem>>) offsets(%dma_start3A_40 : memref<64xi32, #tpu.memory_space<vmem>>) semaphore(%arg11 : memref<!tpu.dma_semaphore, #tpu.memory_space<semaphore_mem>>)
    %scan3A = arith.constant 0 : i32
    %scan3A_44 = arith.constant 0 : i32
    %scan3A_45 = arith.constant 10 : i32
    %scan3A_46 = arith.addi %scan3A_44, %scan3A_45 : i32
    %scan3A_47 = arith.constant 1 : i32
    scf.for %scan3A_66 = %scan3A_44 to %scan3A_46 step %scan3A_47  : i32 {
      %rem3A = arith.constant 2 : i32
      %rem3A_67 = arith.remsi %scan3A_66, %rem3A : i32
      %scan3A_68 = arith.constant 0 : i32
      %scan3A_69 = arith.constant 0 : i32
      %scan3A_70 = arith.constant 16 : i32
      %scan3A_71 = arith.addi %scan3A_69, %scan3A_70 : i32
      %scan3A_72 = arith.constant 1 : i32
      scf.for %scan3A_76 = %scan3A_69 to %scan3A_71 step %scan3A_72  : i32 {
        %mul3A_77 = arith.constant 16 : i32
        %mul3A_78 = arith.muli %scan3A_66, %mul3A_77 : i32
        %add3A_79 = arith.addi %mul3A_78, %scan3A_76 : i32
        %rem3A_80 = arith.constant 4 : i32
        %rem3A_81 = arith.remsi %add3A_79, %rem3A_80 : i32
        %dma_wait3A_82 = arith.constant 0 : i32
        %dma_wait3A_83 = arith.constant 0 : i32
        %dma_wait3A_84 = tpu.memref_slice %arg10[%rem3A_81, %dma_wait3A_82, %dma_wait3A_83] : memref<4x64x128xf32, #tpu.memory_space<vmem>> -> memref<1x64x128xf32, #tpu.memory_space<vmem>>
        %dma_wait3A_85 = tpu.memref_squeeze %dma_wait3A_84 : memref<1x64x128xf32, #tpu.memory_space<vmem>> -> memref<64x128xf32, #tpu.memory_space<vmem>>
        %dma_wait3A_86 = arith.constant 0 : i32
        %dma_wait3A_87 = tpu.memref_slice %arg8[%rem3A_67, %scan3A_76, %dma_wait3A_86] : memref<2x16x64xi32, #tpu.memory_space<vmem>> -> memref<1x1x64xi32, #tpu.memory_space<vmem>>
        %dma_wait3A_88 = tpu.memref_squeeze %dma_wait3A_87 : memref<1x1x64xi32, #tpu.memory_space<vmem>> -> memref<64xi32, #tpu.memory_space<vmem>>
        %dma_wait3A_89 = arith.constant 0 : i32
        %dma_wait3A_90 = arith.constant 0 : i32
        %dma_wait3A_91 = tpu.memref_slice %arg2[%dma_wait3A_89, %dma_wait3A_90] : memref<10000x128xf32, #tpu.memory_space<hbm>> -> memref<10000x128xf32, #tpu.memory_space<hbm>>
        tpu.wait_indirect_dma semaphore(%arg11 : memref<!tpu.dma_semaphore, #tpu.memory_space<semaphore_mem>>) src(%dma_wait3A_91 : memref<10000x128xf32, #tpu.memory_space<hbm>>) dst(%dma_wait3A_85 : memref<64x128xf32, #tpu.memory_space<vmem>>)
        %dma_start3A_92 = arith.constant 0 : i32
        %dma_start3A_93 = arith.constant 0 : i32
        %dma_start3A_94 = tpu.memref_slice %arg10[%rem3A_81, %dma_start3A_92, %dma_start3A_93] : memref<4x64x128xf32, #tpu.memory_space<vmem>> -> memref<1x64x128xf32, #tpu.memory_space<vmem>>
        %dma_start3A_95 = tpu.memref_squeeze %dma_start3A_94 : memref<1x64x128xf32, #tpu.memory_space<vmem>> -> memref<64x128xf32, #tpu.memory_space<vmem>>
        %dma_start3A_96 = arith.constant 0 : i32
        %dma_start3A_97 = tpu.memref_slice %arg9[%rem3A_67, %scan3A_76, %dma_start3A_96] : memref<2x16x64xi32, #tpu.memory_space<vmem>> -> memref<1x1x64xi32, #tpu.memory_space<vmem>>
        %dma_start3A_98 = tpu.memref_squeeze %dma_start3A_97 : memref<1x1x64xi32, #tpu.memory_space<vmem>> -> memref<64xi32, #tpu.memory_space<vmem>>
        %dma_start3A_99 = arith.constant 0 : i32
        %dma_start3A_100 = arith.constant 0 : i32
        %dma_start3A_101 = tpu.memref_slice %arg7[%dma_start3A_99, %dma_start3A_100] : memref<10112x128xf32, #tpu.memory_space<vmem_shared>> -> memref<10112x128xf32, #tpu.memory_space<vmem_shared>>
        tpu.enqueue_indirect_dma source(%dma_start3A_95 : memref<64x128xf32, #tpu.memory_space<vmem>>) target(%dma_start3A_101 : memref<10112x128xf32, #tpu.memory_space<vmem_shared>>) offsets(%dma_start3A_98 : memref<64xi32, #tpu.memory_space<vmem>>) semaphore(%arg12 : memref<!tpu.dma_semaphore, #tpu.memory_space<semaphore_mem>>) {add = true}
        %ge3A = arith.constant 1 : i32
        %ge3A_102 = arith.cmpi sge, %scan3A_76, %ge3A : i32
        %convert_element_type3A_103 = arith.extui %ge3A_102 : i1 to i32
        %cond3A_104 = arith.constant 0 : i32
        %cond3A_105 = arith.cmpi ne, %convert_element_type3A_103, %cond3A_104 : i32
        scf.if %cond3A_105 {
          %dma_wait3A_111 = arith.constant 0 : i32
          %dma_wait3A_112 = arith.constant 0 : i32
          %dma_wait3A_113 = tpu.memref_slice %arg10[%rem3A_81, %dma_wait3A_111, %dma_wait3A_112] : memref<4x64x128xf32, #tpu.memory_space<vmem>> -> memref<1x64x128xf32, #tpu.memory_space<vmem>>
          %dma_wait3A_114 = tpu.memref_squeeze %dma_wait3A_113 : memref<1x64x128xf32, #tpu.memory_space<vmem>> -> memref<64x128xf32, #tpu.memory_space<vmem>>
          %dma_wait3A_115 = arith.constant 0 : i32
          %dma_wait3A_116 = tpu.memref_slice %arg9[%rem3A_67, %scan3A_76, %dma_wait3A_115] : memref<2x16x64xi32, #tpu.memory_space<vmem>> -> memref<1x1x64xi32, #tpu.memory_space<vmem>>
          %dma_wait3A_117 = tpu.memref_squeeze %dma_wait3A_116 : memref<1x1x64xi32, #tpu.memory_space<vmem>> -> memref<64xi32, #tpu.memory_space<vmem>>
          %dma_wait3A_118 = arith.constant 0 : i32
          %dma_wait3A_119 = arith.constant 0 : i32
          %dma_wait3A_120 = tpu.memref_slice %arg7[%dma_wait3A_118, %dma_wait3A_119] : memref<10112x128xf32, #tpu.memory_space<vmem_shared>> -> memref<10112x128xf32, #tpu.memory_space<vmem_shared>>
          tpu.wait_indirect_dma semaphore(%arg12 : memref<!tpu.dma_semaphore, #tpu.memory_space<semaphore_mem>>) src(%dma_wait3A_114 : memref<64x128xf32, #tpu.memory_space<vmem>>) dst(%dma_wait3A_120 : memref<10112x128xf32, #tpu.memory_space<vmem_shared>>)
        } else {
        }
        %lt3A_106 = arith.constant 13 : i32
        %lt3A_107 = arith.cmpi slt, %scan3A_76, %lt3A_106 : i32
        %convert_element_type3A_108 = arith.extui %lt3A_107 : i1 to i32
        %cond3A_109 = arith.constant 0 : i32
        %cond3A_110 = arith.cmpi ne, %convert_element_type3A_108, %cond3A_109 : i32
        scf.if %cond3A_110 {
          %add3A_111 = arith.constant 4 : i32
          %add3A_112 = arith.addi %scan3A_76, %add3A_111 : i32
          %sub3A = arith.constant 1 : i32
          %sub3A_113 = arith.subi %add3A_112, %sub3A : i32
          %add3A_114 = arith.constant 4 : i32
          %add3A_115 = arith.addi %add3A_79, %add3A_114 : i32
          %sub3A_116 = arith.constant 1 : i32
          %sub3A_117 = arith.subi %add3A_115, %sub3A_116 : i32
          %rem3A_118 = arith.constant 4 : i32
          %rem3A_119 = arith.remsi %sub3A_117, %rem3A_118 : i32
          %dma_start3A_120 = arith.constant 0 : i32
          %dma_start3A_121 = arith.constant 0 : i32
          %dma_start3A_122 = tpu.memref_slice %arg10[%rem3A_119, %dma_start3A_120, %dma_start3A_121] : memref<4x64x128xf32, #tpu.memory_space<vmem>> -> memref<1x64x128xf32, #tpu.memory_space<vmem>>
          %dma_start3A_123 = tpu.memref_squeeze %dma_start3A_122 : memref<1x64x128xf32, #tpu.memory_space<vmem>> -> memref<64x128xf32, #tpu.memory_space<vmem>>
          %dma_start3A_124 = arith.constant 0 : i32
          %dma_start3A_125 = tpu.memref_slice %arg8[%rem3A_67, %sub3A_113, %dma_start3A_124] : memref<2x16x64xi32, #tpu.memory_space<vmem>> -> memref<1x1x64xi32, #tpu.memory_space<vmem>>
          %dma_start3A_126 = tpu.memref_squeeze %dma_start3A_125 : memref<1x1x64xi32, #tpu.memory_space<vmem>> -> memref<64xi32, #tpu.memory_space<vmem>>
          %dma_start3A_127 = arith.constant 0 : i32
          %dma_start3A_128 = arith.constant 0 : i32
          %dma_start3A_129 = tpu.memref_slice %arg2[%dma_start3A_127, %dma_start3A_128] : memref<10000x128xf32, #tpu.memory_space<hbm>> -> memref<10000x128xf32, #tpu.memory_space<hbm>>
          tpu.enqueue_indirect_dma source(%dma_start3A_129 : memref<10000x128xf32, #tpu.memory_space<hbm>>) target(%dma_start3A_123 : memref<64x128xf32, #tpu.memory_space<vmem>>) offsets(%dma_start3A_126 : memref<64xi32, #tpu.memory_space<vmem>>) semaphore(%arg11 : memref<!tpu.dma_semaphore, #tpu.memory_space<semaphore_mem>>)
        } else {
        }
      }
      %scan3A_73 = arith.constant 16 : i32
      %lt3A = arith.constant 9 : i32
      %lt3A_74 = arith.cmpi slt, %scan3A_66, %lt3A : i32
      %convert_element_type3A = arith.extui %lt3A_74 : i1 to i32
      %cond3A = arith.constant 0 : i32
      %cond3A_75 = arith.cmpi ne, %convert_element_type3A, %cond3A : i32
      scf.if %cond3A_75 {
        %mul3A_76 = arith.constant 16 : i32
        %mul3A_77 = arith.muli %scan3A_66, %mul3A_76 : i32
        %add3A_78 = arith.constant 16 : i32
        %add3A_79 = arith.addi %mul3A_77, %add3A_78 : i32
        %sub3A = arith.constant 1 : i32
        %sub3A_80 = arith.subi %add3A_79, %sub3A : i32
        %rem3A_81 = arith.constant 4 : i32
        %rem3A_82 = arith.remsi %sub3A_80, %rem3A_81 : i32
        %dma_wait3A_83 = arith.constant 15 : i32
        %dma_wait3A_84 = arith.constant 0 : i32
        %dma_wait3A_85 = arith.constant 0 : i32
        %dma_wait3A_86 = tpu.memref_slice %arg10[%rem3A_82, %dma_wait3A_84, %dma_wait3A_85] : memref<4x64x128xf32, #tpu.memory_space<vmem>> -> memref<1x64x128xf32, #tpu.memory_space<vmem>>
        %dma_wait3A_87 = tpu.memref_squeeze %dma_wait3A_86 : memref<1x64x128xf32, #tpu.memory_space<vmem>> -> memref<64x128xf32, #tpu.memory_space<vmem>>
        %dma_wait3A_88 = arith.constant 0 : i32
        %dma_wait3A_89 = tpu.memref_slice %arg9[%rem3A_67, %dma_wait3A_83, %dma_wait3A_88] : memref<2x16x64xi32, #tpu.memory_space<vmem>> -> memref<1x1x64xi32, #tpu.memory_space<vmem>>
        %dma_wait3A_90 = tpu.memref_squeeze %dma_wait3A_89 : memref<1x1x64xi32, #tpu.memory_space<vmem>> -> memref<64xi32, #tpu.memory_space<vmem>>
        %dma_wait3A_91 = arith.constant 0 : i32
        %dma_wait3A_92 = arith.constant 0 : i32
        %dma_wait3A_93 = tpu.memref_slice %arg7[%dma_wait3A_91, %dma_wait3A_92] : memref<10112x128xf32, #tpu.memory_space<vmem_shared>> -> memref<10112x128xf32, #tpu.memory_space<vmem_shared>>
        tpu.wait_indirect_dma semaphore(%arg12 : memref<!tpu.dma_semaphore, #tpu.memory_space<semaphore_mem>>) src(%dma_wait3A_87 : memref<64x128xf32, #tpu.memory_space<vmem>>) dst(%dma_wait3A_93 : memref<10112x128xf32, #tpu.memory_space<vmem_shared>>)
        %add3A_94 = arith.constant 1 : i32
        %add3A_95 = arith.addi %scan3A_66, %add3A_94 : i32
        %rem3A_96 = arith.constant 2 : i32
        %rem3A_97 = arith.remsi %add3A_95, %rem3A_96 : i32
        %add3A_98 = arith.constant 1 : i32
        %add3A_99 = arith.addi %scan3A_66, %add3A_98 : i32
        %mul3A_100 = arith.constant 16 : i32
        %mul3A_101 = arith.muli %add3A_99, %mul3A_100 : i32
        %add3A_102 = arith.addi %mul3A_2, %mul3A_101 : i32
        "tpu.region"() ({
          %run_scoped3A_165 = tpu.sem_alloc : memref<!tpu.dma_semaphore, #tpu.memory_space<semaphore_mem>>
          %dma_start3A_166 = arith.constant 0 : i32
          %dma_start3A_167 = arith.constant 0 : i32
          %dma_start3A_168 = tpu.memref_slice %arg8[%rem3A_97, %dma_start3A_166, %dma_start3A_167] : memref<2x16x64xi32, #tpu.memory_space<vmem>> -> memref<1x16x64xi32, #tpu.memory_space<vmem>>
          %dma_start3A_169 = tpu.memref_squeeze %dma_start3A_168 : memref<1x16x64xi32, #tpu.memory_space<vmem>> -> memref<16x64xi32, #tpu.memory_space<vmem>>
          %dma_start3A_170 = arith.constant 0 : i32
          %dma_start3A_171 = tpu.memref_slice %arg3[%add3A_102, %dma_start3A_170] : memref<5120x64xi32, #tpu.memory_space<hbm>> -> memref<16x64xi32, #tpu.memory_space<hbm>>
          %dma_start3A_172 = arith.constant 0 : i32
          %dma_start3A_173 = arith.constant 0 : i32
          %dma_start3A_174 = tpu.memref_slice %arg8[%rem3A_97, %dma_start3A_172, %dma_start3A_173] : memref<2x16x64xi32, #tpu.memory_space<vmem>> -> memref<1x16x64xi32, #tpu.memory_space<vmem>>
          %dma_start3A_175 = tpu.memref_squeeze %dma_start3A_174 : memref<1x16x64xi32, #tpu.memory_space<vmem>> -> memref<16x64xi32, #tpu.memory_space<vmem>>
          %dma_start3A_176 = arith.constant 0 : i32
          %dma_start3A_177 = tpu.memref_slice %arg3[%add3A_102, %dma_start3A_176] : memref<5120x64xi32, #tpu.memory_space<hbm>> -> memref<16x64xi32, #tpu.memory_space<hbm>>
          tpu.enqueue_dma source(%dma_start3A_177 : memref<16x64xi32, #tpu.memory_space<hbm>>) target(%dma_start3A_175 : memref<16x64xi32, #tpu.memory_space<vmem>>) target_semaphore(%run_scoped3A_165 : memref<!tpu.dma_semaphore, #tpu.memory_space<semaphore_mem>>)
          %dma_wait3A_178 = arith.constant 0 : i32
          %dma_wait3A_179 = arith.constant 0 : i32
          %dma_wait3A_180 = tpu.memref_slice %arg8[%rem3A_97, %dma_wait3A_178, %dma_wait3A_179] : memref<2x16x64xi32, #tpu.memory_space<vmem>> -> memref<1x16x64xi32, #tpu.memory_space<vmem>>
          %dma_wait3A_181 = tpu.memref_squeeze %dma_wait3A_180 : memref<1x16x64xi32, #tpu.memory_space<vmem>> -> memref<16x64xi32, #tpu.memory_space<vmem>>
          %dma_wait3A_182 = arith.constant 0 : i32
          %dma_wait3A_183 = tpu.memref_slice %arg3[%add3A_102, %dma_wait3A_182] : memref<5120x64xi32, #tpu.memory_space<hbm>> -> memref<16x64xi32, #tpu.memory_space<hbm>>
          %dma_wait3A_184 = arith.constant 0 : i32
          %dma_wait3A_185 = arith.constant 0 : i32
          %dma_wait3A_186 = tpu.memref_slice %arg8[%rem3A_97, %dma_wait3A_184, %dma_wait3A_185] : memref<2x16x64xi32, #tpu.memory_space<vmem>> -> memref<1x16x64xi32, #tpu.memory_space<vmem>>
          %dma_wait3A_187 = tpu.memref_squeeze %dma_wait3A_186 : memref<1x16x64xi32, #tpu.memory_space<vmem>> -> memref<16x64xi32, #tpu.memory_space<vmem>>
          %dma_wait3A_188 = arith.constant 0 : i32
          %dma_wait3A_189 = tpu.memref_slice %arg3[%add3A_102, %dma_wait3A_188] : memref<5120x64xi32, #tpu.memory_space<hbm>> -> memref<16x64xi32, #tpu.memory_space<hbm>>
          tpu.wait_dma2 semaphore(%run_scoped3A_165 : memref<!tpu.dma_semaphore, #tpu.memory_space<semaphore_mem>>) src(%dma_wait3A_189 : memref<16x64xi32, #tpu.memory_space<hbm>>) dst(%dma_wait3A_187 : memref<16x64xi32, #tpu.memory_space<vmem>>)
          tpu.yield
        }) : () -> ()
        %add3A_103 = arith.constant 1 : i32
        %add3A_104 = arith.addi %scan3A_66, %add3A_103 : i32
        %mul3A_105 = arith.constant 16 : i32
        %mul3A_106 = arith.muli %add3A_104, %mul3A_105 : i32
        %add3A_107 = arith.addi %mul3A_2, %mul3A_106 : i32
        "tpu.region"() ({
          %run_scoped3A_165 = tpu.sem_alloc : memref<!tpu.dma_semaphore, #tpu.memory_space<semaphore_mem>>
          %dma_start3A_166 = arith.constant 0 : i32
          %dma_start3A_167 = arith.constant 0 : i32
          %dma_start3A_168 = tpu.memref_slice %arg9[%rem3A_97, %dma_start3A_166, %dma_start3A_167] : memref<2x16x64xi32, #tpu.memory_space<vmem>> -> memref<1x16x64xi32, #tpu.memory_space<vmem>>
          %dma_start3A_169 = tpu.memref_squeeze %dma_start3A_168 : memref<1x16x64xi32, #tpu.memory_space<vmem>> -> memref<16x64xi32, #tpu.memory_space<vmem>>
          %dma_start3A_170 = arith.constant 0 : i32
          %dma_start3A_171 = tpu.memref_slice %arg4[%add3A_107, %dma_start3A_170] : memref<5120x64xi32, #tpu.memory_space<hbm>> -> memref<16x64xi32, #tpu.memory_space<hbm>>
          %dma_start3A_172 = arith.constant 0 : i32
          %dma_start3A_173 = arith.constant 0 : i32
          %dma_start3A_174 = tpu.memref_slice %arg9[%rem3A_97, %dma_start3A_172, %dma_start3A_173] : memref<2x16x64xi32, #tpu.memory_space<vmem>> -> memref<1x16x64xi32, #tpu.memory_space<vmem>>
          %dma_start3A_175 = tpu.memref_squeeze %dma_start3A_174 : memref<1x16x64xi32, #tpu.memory_space<vmem>> -> memref<16x64xi32, #tpu.memory_space<vmem>>
          %dma_start3A_176 = arith.constant 0 : i32
          %dma_start3A_177 = tpu.memref_slice %arg4[%add3A_107, %dma_start3A_176] : memref<5120x64xi32, #tpu.memory_space<hbm>> -> memref<16x64xi32, #tpu.memory_space<hbm>>
          tpu.enqueue_dma source(%dma_start3A_177 : memref<16x64xi32, #tpu.memory_space<hbm>>) target(%dma_start3A_175 : memref<16x64xi32, #tpu.memory_space<vmem>>) target_semaphore(%run_scoped3A_165 : memref<!tpu.dma_semaphore, #tpu.memory_space<semaphore_mem>>)
          %dma_wait3A_178 = arith.constant 0 : i32
          %dma_wait3A_179 = arith.constant 0 : i32
          %dma_wait3A_180 = tpu.memref_slice %arg9[%rem3A_97, %dma_wait3A_178, %dma_wait3A_179] : memref<2x16x64xi32, #tpu.memory_space<vmem>> -> memref<1x16x64xi32, #tpu.memory_space<vmem>>
          %dma_wait3A_181 = tpu.memref_squeeze %dma_wait3A_180 : memref<1x16x64xi32, #tpu.memory_space<vmem>> -> memref<16x64xi32, #tpu.memory_space<vmem>>
          %dma_wait3A_182 = arith.constant 0 : i32
          %dma_wait3A_183 = tpu.memref_slice %arg4[%add3A_107, %dma_wait3A_182] : memref<5120x64xi32, #tpu.memory_space<hbm>> -> memref<16x64xi32, #tpu.memory_space<hbm>>
          %dma_wait3A_184 = arith.constant 0 : i32
          %dma_wait3A_185 = arith.constant 0 : i32
          %dma_wait3A_186 = tpu.memref_slice %arg9[%rem3A_97, %dma_wait3A_184, %dma_wait3A_185] : memref<2x16x64xi32, #tpu.memory_space<vmem>> -> memref<1x16x64xi32, #tpu.memory_space<vmem>>
          %dma_wait3A_187 = tpu.memref_squeeze %dma_wait3A_186 : memref<1x16x64xi32, #tpu.memory_space<vmem>> -> memref<16x64xi32, #tpu.memory_space<vmem>>
          %dma_wait3A_188 = arith.constant 0 : i32
          %dma_wait3A_189 = tpu.memref_slice %arg4[%add3A_107, %dma_wait3A_188] : memref<5120x64xi32, #tpu.memory_space<hbm>> -> memref<16x64xi32, #tpu.memory_space<hbm>>
          tpu.wait_dma2 semaphore(%run_scoped3A_165 : memref<!tpu.dma_semaphore, #tpu.memory_space<semaphore_mem>>) src(%dma_wait3A_189 : memref<16x64xi32, #tpu.memory_space<hbm>>) dst(%dma_wait3A_187 : memref<16x64xi32, #tpu.memory_space<vmem>>)
          tpu.yield
        }) : () -> ()
        %add3A_108 = arith.constant 1 : i32
        %add3A_109 = arith.addi %scan3A_66, %add3A_108 : i32
        %mul3A_110 = arith.constant 16 : i32
        %mul3A_111 = arith.muli %add3A_109, %mul3A_110 : i32
        %add3A_112 = arith.constant 0 : i32
        %add3A_113 = arith.addi %mul3A_111, %add3A_112 : i32
        %rem3A_114 = arith.constant 4 : i32
        %rem3A_115 = arith.remsi %add3A_113, %rem3A_114 : i32
        %dma_start3A_116 = arith.constant 0 : i32
        %dma_start3A_117 = arith.constant 0 : i32
        %dma_start3A_118 = arith.constant 0 : i32
        %dma_start3A_119 = tpu.memref_slice %arg10[%rem3A_115, %dma_start3A_117, %dma_start3A_118] : memref<4x64x128xf32, #tpu.memory_space<vmem>> -> memref<1x64x128xf32, #tpu.memory_space<vmem>>
        %dma_start3A_120 = tpu.memref_squeeze %dma_start3A_119 : memref<1x64x128xf32, #tpu.memory_space<vmem>> -> memref<64x128xf32, #tpu.memory_space<vmem>>
        %dma_start3A_121 = arith.constant 0 : i32
        %dma_start3A_122 = tpu.memref_slice %arg8[%rem3A_97, %dma_start3A_116, %dma_start3A_121] : memref<2x16x64xi32, #tpu.memory_space<vmem>> -> memref<1x1x64xi32, #tpu.memory_space<vmem>>
        %dma_start3A_123 = tpu.memref_squeeze %dma_start3A_122 : memref<1x1x64xi32, #tpu.memory_space<vmem>> -> memref<64xi32, #tpu.memory_space<vmem>>
        %dma_start3A_124 = arith.constant 0 : i32
        %dma_start3A_125 = arith.constant 0 : i32
        %dma_start3A_126 = tpu.memref_slice %arg2[%dma_start3A_124, %dma_start3A_125] : memref<10000x128xf32, #tpu.memory_space<hbm>> -> memref<10000x128xf32, #tpu.memory_space<hbm>>
        tpu.enqueue_indirect_dma source(%dma_start3A_126 : memref<10000x128xf32, #tpu.memory_space<hbm>>) target(%dma_start3A_120 : memref<64x128xf32, #tpu.memory_space<vmem>>) offsets(%dma_start3A_123 : memref<64xi32, #tpu.memory_space<vmem>>) semaphore(%arg11 : memref<!tpu.dma_semaphore, #tpu.memory_space<semaphore_mem>>)
        %add3A_127 = arith.constant 1 : i32
        %add3A_128 = arith.addi %scan3A_66, %add3A_127 : i32
        %mul3A_129 = arith.constant 16 : i32
        %mul3A_130 = arith.muli %add3A_128, %mul3A_129 : i32
        %add3A_131 = arith.constant 1 : i32
        %add3A_132 = arith.addi %mul3A_130, %add3A_131 : i32
        %rem3A_133 = arith.constant 4 : i32
        %rem3A_134 = arith.remsi %add3A_132, %rem3A_133 : i32
        %dma_start3A_135 = arith.constant 1 : i32
        %dma_start3A_136 = arith.constant 0 : i32
        %dma_start3A_137 = arith.constant 0 : i32
        %dma_start3A_138 = tpu.memref_slice %arg10[%rem3A_134, %dma_start3A_136, %dma_start3A_137] : memref<4x64x128xf32, #tpu.memory_space<vmem>> -> memref<1x64x128xf32, #tpu.memory_space<vmem>>
        %dma_start3A_139 = tpu.memref_squeeze %dma_start3A_138 : memref<1x64x128xf32, #tpu.memory_space<vmem>> -> memref<64x128xf32, #tpu.memory_space<vmem>>
        %dma_start3A_140 = arith.constant 0 : i32
        %dma_start3A_141 = tpu.memref_slice %arg8[%rem3A_97, %dma_start3A_135, %dma_start3A_140] : memref<2x16x64xi32, #tpu.memory_space<vmem>> -> memref<1x1x64xi32, #tpu.memory_space<vmem>>
        %dma_start3A_142 = tpu.memref_squeeze %dma_start3A_141 : memref<1x1x64xi32, #tpu.memory_space<vmem>> -> memref<64xi32, #tpu.memory_space<vmem>>
        %dma_start3A_143 = arith.constant 0 : i32
        %dma_start3A_144 = arith.constant 0 : i32
        %dma_start3A_145 = tpu.memref_slice %arg2[%dma_start3A_143, %dma_start3A_144] : memref<10000x128xf32, #tpu.memory_space<hbm>> -> memref<10000x128xf32, #tpu.memory_space<hbm>>
        tpu.enqueue_indirect_dma source(%dma_start3A_145 : memref<10000x128xf32, #tpu.memory_space<hbm>>) target(%dma_start3A_139 : memref<64x128xf32, #tpu.memory_space<vmem>>) offsets(%dma_start3A_142 : memref<64xi32, #tpu.memory_space<vmem>>) semaphore(%arg11 : memref<!tpu.dma_semaphore, #tpu.memory_space<semaphore_mem>>)
        %add3A_146 = arith.constant 1 : i32
        %add3A_147 = arith.addi %scan3A_66, %add3A_146 : i32
        %mul3A_148 = arith.constant 16 : i32
        %mul3A_149 = arith.muli %add3A_147, %mul3A_148 : i32
        %add3A_150 = arith.constant 2 : i32
        %add3A_151 = arith.addi %mul3A_149, %add3A_150 : i32
        %rem3A_152 = arith.constant 4 : i32
        %rem3A_153 = arith.remsi %add3A_151, %rem3A_152 : i32
        %dma_start3A_154 = arith.constant 2 : i32
        %dma_start3A_155 = arith.constant 0 : i32
        %dma_start3A_156 = arith.constant 0 : i32
        %dma_start3A_157 = tpu.memref_slice %arg10[%rem3A_153, %dma_start3A_155, %dma_start3A_156] : memref<4x64x128xf32, #tpu.memory_space<vmem>> -> memref<1x64x128xf32, #tpu.memory_space<vmem>>
        %dma_start3A_158 = tpu.memref_squeeze %dma_start3A_157 : memref<1x64x128xf32, #tpu.memory_space<vmem>> -> memref<64x128xf32, #tpu.memory_space<vmem>>
        %dma_start3A_159 = arith.constant 0 : i32
        %dma_start3A_160 = tpu.memref_slice %arg8[%rem3A_97, %dma_start3A_154, %dma_start3A_159] : memref<2x16x64xi32, #tpu.memory_space<vmem>> -> memref<1x1x64xi32, #tpu.memory_space<vmem>>
        %dma_start3A_161 = tpu.memref_squeeze %dma_start3A_160 : memref<1x1x64xi32, #tpu.memory_space<vmem>> -> memref<64xi32, #tpu.memory_space<vmem>>
        %dma_start3A_162 = arith.constant 0 : i32
        %dma_start3A_163 = arith.constant 0 : i32
        %dma_start3A_164 = tpu.memref_slice %arg2[%dma_start3A_162, %dma_start3A_163] : memref<10000x128xf32, #tpu.memory_space<hbm>> -> memref<10000x128xf32, #tpu.memory_space<hbm>>
        tpu.enqueue_indirect_dma source(%dma_start3A_164 : memref<10000x128xf32, #tpu.memory_space<hbm>>) target(%dma_start3A_158 : memref<64x128xf32, #tpu.memory_space<vmem>>) offsets(%dma_start3A_161 : memref<64xi32, #tpu.memory_space<vmem>>) semaphore(%arg11 : memref<!tpu.dma_semaphore, #tpu.memory_space<semaphore_mem>>)
      } else {
      }
    }
    %scan3A_48 = arith.constant 10 : i32
    %dma_wait3A = arith.constant 3 : i32
    %dma_wait3A_49 = arith.constant 1 : i32
    %dma_wait3A_50 = arith.constant 15 : i32
    %dma_wait3A_51 = arith.constant 0 : i32
    %dma_wait3A_52 = arith.constant 0 : i32
    %dma_wait3A_53 = tpu.memref_slice %arg10[%dma_wait3A, %dma_wait3A_51, %dma_wait3A_52] : memref<4x64x128xf32, #tpu.memory_space<vmem>> -> memref<1x64x128xf32, #tpu.memory_space<vmem>>
    %dma_wait3A_54 = tpu.memref_squeeze %dma_wait3A_53 : memref<1x64x128xf32, #tpu.memory_space<vmem>> -> memref<64x128xf32, #tpu.memory_space<vmem>>
    %dma_wait3A_55 = arith.constant 0 : i32
    %dma_wait3A_56 = tpu.memref_slice %arg9[%dma_wait3A_49, %dma_wait3A_50, %dma_wait3A_55] : memref<2x16x64xi32, #tpu.memory_space<vmem>> -> memref<1x1x64xi32, #tpu.memory_space<vmem>>
    %dma_wait3A_57 = tpu.memref_squeeze %dma_wait3A_56 : memref<1x1x64xi32, #tpu.memory_space<vmem>> -> memref<64xi32, #tpu.memory_space<vmem>>
    %dma_wait3A_58 = arith.constant 0 : i32
    %dma_wait3A_59 = arith.constant 0 : i32
    %dma_wait3A_60 = tpu.memref_slice %arg7[%dma_wait3A_58, %dma_wait3A_59] : memref<10112x128xf32, #tpu.memory_space<vmem_shared>> -> memref<10112x128xf32, #tpu.memory_space<vmem_shared>>
    tpu.wait_indirect_dma semaphore(%arg12 : memref<!tpu.dma_semaphore, #tpu.memory_space<semaphore_mem>>) src(%dma_wait3A_54 : memref<64x128xf32, #tpu.memory_space<vmem>>) dst(%dma_wait3A_60 : memref<10112x128xf32, #tpu.memory_space<vmem_shared>>)
    %barrier3A_61 = arith.constant 0 : index
    tpu.barrier barrier_id(%barrier3A_61)
    %mul3A_62 = arith.constant 632 : i32
    %mul3A_63 = arith.muli %arg1, %mul3A_62 : i32
    %mul3A_64 = arith.constant 632 : i32
    %mul3A_65 = arith.muli %arg1, %mul3A_64 : i32
    "tpu.region"() ({
      %run_scoped3A_66 = tpu.sem_alloc : memref<!tpu.dma_semaphore, #tpu.memory_space<semaphore_mem>>
      %dma_start3A_67 = arith.constant 0 : i32
      %dma_start3A_68 = tpu.memref_slice %arg6[%arg0, %mul3A_65, %dma_start3A_67] : memref<2x10112x128xf32, #tpu.memory_space<hbm>> -> memref<1x632x128xf32, #tpu.memory_space<hbm>>
      %dma_start3A_69 = tpu.memref_squeeze %dma_start3A_68 : memref<1x632x128xf32, #tpu.memory_space<hbm>> -> memref<632x128xf32, #tpu.memory_space<hbm>>
      %dma_start3A_70 = arith.constant 0 : i32
      %dma_start3A_71 = tpu.memref_slice %arg7[%mul3A_63, %dma_start3A_70] : memref<10112x128xf32, #tpu.memory_space<vmem_shared>> -> memref<632x128xf32, #tpu.memory_space<vmem_shared>>
      tpu.enqueue_dma source(%dma_start3A_71 : memref<632x128xf32, #tpu.memory_space<vmem_shared>>) target(%dma_start3A_69 : memref<632x128xf32, #tpu.memory_space<hbm>>) target_semaphore(%run_scoped3A_66 : memref<!tpu.dma_semaphore, #tpu.memory_space<semaphore_mem>>)
      %dma_wait3A_72 = arith.constant 0 : i32
      %dma_wait3A_73 = tpu.memref_slice %arg6[%arg0, %mul3A_65, %dma_wait3A_72] : memref<2x10112x128xf32, #tpu.memory_space<hbm>> -> memref<1x632x128xf32, #tpu.memory_space<hbm>>
      %dma_wait3A_74 = tpu.memref_squeeze %dma_wait3A_73 : memref<1x632x128xf32, #tpu.memory_space<hbm>> -> memref<632x128xf32, #tpu.memory_space<hbm>>
      %dma_wait3A_75 = arith.constant 0 : i32
      %dma_wait3A_76 = tpu.memref_slice %arg7[%mul3A_63, %dma_wait3A_75] : memref<10112x128xf32, #tpu.memory_space<vmem_shared>> -> memref<632x128xf32, #tpu.memory_space<vmem_shared>>
      tpu.wait_dma2 semaphore(%run_scoped3A_66 : memref<!tpu.dma_semaphore, #tpu.memory_space<semaphore_mem>>) src(%dma_wait3A_76 : memref<632x128xf32, #tpu.memory_space<vmem_shared>>) dst(%dma_wait3A_74 : memref<632x128xf32, #tpu.memory_space<hbm>>)
      tpu.yield
    }) : () -> ()
    return
  }
}

module attributes {stable_mosaic.version = 14 : i64} {
  func.func @_tc_layer_body(%arg0: i32, %arg1: memref<1000x128xf32, #tpu.memory_space<vmem>>, %arg2: memref<1x1000x128xf32, #tpu.memory_space<vmem>>, %arg3: memref<1x1000x128xf32, #tpu.memory_space<vmem>>, %arg4: memref<1x1000x128xf32, #tpu.memory_space<vmem>>, %arg5: memref<1x1000x128xf32, #tpu.memory_space<vmem>>, %arg6: memref<128x128xf32, #tpu.memory_space<vmem>>, %arg7: memref<128x128xf32, #tpu.memory_space<vmem>>, %arg8: memref<1x128xf32, #tpu.memory_space<vmem>>, %arg9: memref<1000x128xf32, #tpu.memory_space<vmem>>) attributes {dimension_semantics = [#tpu.dimension_semantics<arbitrary>], iteration_bounds = array<i64: 10>, scalar_prefetch = 0 : i64, scratch_operands = 0 : i64, tpu.core_type = #tpu.core_type<tc>, window_params = [{transform_indices = @transform_0, window_bounds = array<i64: 1000, 128>}, {transform_indices = @transform_1, window_bounds = array<i64: 1, 1000, 128>}, {transform_indices = @transform_2, window_bounds = array<i64: 1, 1000, 128>}, {transform_indices = @transform_3, window_bounds = array<i64: 1, 1000, 128>}, {transform_indices = @transform_4, window_bounds = array<i64: 1, 1000, 128>}, {pipeline_mode = #tpu.pipeline_mode<synchronous>, transform_indices = @transform_5, window_bounds = array<i64: 128, 128>}, {pipeline_mode = #tpu.pipeline_mode<synchronous>, transform_indices = @transform_6, window_bounds = array<i64: 128, 128>}, {pipeline_mode = #tpu.pipeline_mode<synchronous>, transform_indices = @transform_7, window_bounds = array<i64: 1, 128>}, {transform_indices = @transform_8, window_bounds = array<i64: 1000, 128>}]} {
    %get3A = arith.constant 0 : index
    %get3A_0 = arith.constant 0 : index
    %get3A_1 = arith.constant 0 : index
    %get3A_2 = vector.load %arg4[%get3A, %get3A_0, %get3A_1] : memref<1x1000x128xf32, #tpu.memory_space<vmem>>, vector<1x1000x128xf32>
    %get3A_3 = vector.shape_cast %get3A_2 : vector<1x1000x128xf32> to vector<1000x128xf32>
    %slice3A = vector.extract_strided_slice %get3A_3 {offsets = [0, 0], sizes = [1000, 1], strides = [1, 1]} : vector<1000x128xf32> to vector<1000x1xf32>
    %get3A_4 = arith.constant 0 : index
    %get3A_5 = arith.constant 0 : index
    %get3A_6 = arith.constant 0 : index
    %get3A_7 = vector.load %arg5[%get3A_4, %get3A_5, %get3A_6] : memref<1x1000x128xf32, #tpu.memory_space<vmem>>, vector<1x1000x128xf32>
    %get3A_8 = vector.shape_cast %get3A_7 : vector<1x1000x128xf32> to vector<1000x128xf32>
    %slice3A_9 = vector.extract_strided_slice %get3A_8 {offsets = [0, 0], sizes = [1000, 1], strides = [1, 1]} : vector<1000x128xf32> to vector<1000x1xf32>
    %add3A = arith.addf %slice3A, %slice3A_9 : vector<1000x1xf32>
    %get3A_10 = arith.constant 0 : index
    %get3A_11 = arith.constant 0 : index
    %get3A_12 = arith.constant 0 : index
    %get3A_13 = vector.load %arg2[%get3A_10, %get3A_11, %get3A_12] : memref<1x1000x128xf32, #tpu.memory_space<vmem>>, vector<1x1000x128xf32>
    %get3A_14 = vector.shape_cast %get3A_13 : vector<1x1000x128xf32> to vector<1000x128xf32>
    %get3A_15 = arith.constant 0 : index
    %get3A_16 = arith.constant 0 : index
    %get3A_17 = arith.constant 0 : index
    %get3A_18 = vector.load %arg3[%get3A_15, %get3A_16, %get3A_17] : memref<1x1000x128xf32, #tpu.memory_space<vmem>>, vector<1x1000x128xf32>
    %get3A_19 = vector.shape_cast %get3A_18 : vector<1x1000x128xf32> to vector<1000x128xf32>
    %add3A_20 = arith.addf %get3A_14, %get3A_19 : vector<1000x128xf32>
    %max3A = arith.constant 1.000000e+00 : f32
    %max3A_21 = vector.broadcast %max3A : f32 to vector<1000x1xf32>
    %max3A_22 = arith.maximumf %add3A, %max3A_21 : vector<1000x1xf32>
    %div3A = arith.constant 1.000000e+00 : f32
    %div3A_23 = vector.broadcast %div3A : f32 to vector<1000x1xf32>
    %div3A_24 = arith.divf %div3A_23, %max3A_22 : vector<1000x1xf32>
    %mul3A = vector.broadcast %div3A_24 : vector<1000x1xf32> to vector<1000x128xf32>
    %mul3A_25 = arith.mulf %add3A_20, %mul3A : vector<1000x128xf32>
    %get3A_26 = arith.constant 0 : index
    %get3A_27 = arith.constant 0 : index
    %get3A_28 = vector.load %arg1[%get3A_26, %get3A_27] : memref<1000x128xf32, #tpu.memory_space<vmem>>, vector<1000x128xf32>
    %get3A_29 = arith.constant 0 : index
    %get3A_30 = arith.constant 0 : index
    %get3A_31 = vector.load %arg6[%get3A_29, %get3A_30] : memref<128x128xf32, #tpu.memory_space<vmem>>, vector<128x128xf32>
    %dot_general3A = arith.constant dense<0.000000e+00> : vector<1000x128xf32>
    %dot_general3A_32 = tpu.matmul %get3A_28, %get3A_31, %dot_general3A {dimension_numbers = #tpu.dot_dimension_numbers<[1], [0], [0], [1], [0, 0, 1, 1], [], []>, transpose_lhs_hint = false} : vector<1000x128xf32>, vector<128x128xf32>, vector<1000x128xf32> -> vector<1000x128xf32>
    %get3A_33 = arith.constant 0 : index
    %get3A_34 = arith.constant 0 : index
    %get3A_35 = vector.load %arg7[%get3A_33, %get3A_34] : memref<128x128xf32, #tpu.memory_space<vmem>>, vector<128x128xf32>
    %dot_general3A_36 = arith.constant dense<0.000000e+00> : vector<1000x128xf32>
    %dot_general3A_37 = tpu.matmul %mul3A_25, %get3A_35, %dot_general3A_36 {dimension_numbers = #tpu.dot_dimension_numbers<[1], [0], [0], [1], [0, 0, 1, 1], [], []>, transpose_lhs_hint = false} : vector<1000x128xf32>, vector<128x128xf32>, vector<1000x128xf32> -> vector<1000x128xf32>
    %add3A_38 = arith.addf %dot_general3A_32, %dot_general3A_37 : vector<1000x128xf32>
    %get3A_39 = arith.constant 0 : index
    %get3A_40 = arith.constant 0 : index
    %get3A_41 = vector.load %arg8[%get3A_39, %get3A_40] : memref<1x128xf32, #tpu.memory_space<vmem>>, vector<1x128xf32>
    %add3A_42 = vector.broadcast %get3A_41 : vector<1x128xf32> to vector<1000x128xf32>
    %add3A_43 = arith.addf %add3A_38, %add3A_42 : vector<1000x128xf32>
    %max3A_44 = arith.constant 0.000000e+00 : f32
    %max3A_45 = vector.broadcast %max3A_44 : f32 to vector<1000x128xf32>
    %max3A_46 = arith.maximumf %add3A_43, %max3A_45 : vector<1000x128xf32>
    %swap3A = arith.constant 0 : index
    %swap3A_47 = arith.constant 0 : index
    %swap3A_48 = vector.load %arg9[%swap3A, %swap3A_47] : memref<1000x128xf32, #tpu.memory_space<vmem>>, vector<1000x128xf32>
    tpu.vector_store %arg9[%swap3A, %swap3A_47], %max3A_46 {strides = array<i32>} : memref<1000x128xf32, #tpu.memory_space<vmem>>, vector<1000x128xf32>,
    return
  }
  func.func @transform_0(%arg0: i32) -> (i32, i32) {
    %c0_i32 = arith.constant 0 : i32
    %c0_i32_0 = arith.constant 0 : i32
    return %arg0, %c0_i32 : i32, i32
  }
  func.func @transform_1(%arg0: i32) -> (i32, i32, i32) {
    %c0_i32 = arith.constant 0 : i32
    %c0_i32_0 = arith.constant 0 : i32
    %c0_i32_1 = arith.constant 0 : i32
    return %c0_i32, %arg0, %c0_i32_0 : i32, i32, i32
  }
  func.func @transform_2(%arg0: i32) -> (i32, i32, i32) {
    %c1_i32 = arith.constant 1 : i32
    %c0_i32 = arith.constant 0 : i32
    %c0_i32_0 = arith.constant 0 : i32
    return %c1_i32, %arg0, %c0_i32 : i32, i32, i32
  }
  func.func @transform_3(%arg0: i32) -> (i32, i32, i32) {
    %c0_i32 = arith.constant 0 : i32
    %c0_i32_0 = arith.constant 0 : i32
    %c0_i32_1 = arith.constant 0 : i32
    return %c0_i32, %arg0, %c0_i32_0 : i32, i32, i32
  }
  func.func @transform_4(%arg0: i32) -> (i32, i32, i32) {
    %c1_i32 = arith.constant 1 : i32
    %c0_i32 = arith.constant 0 : i32
    %c0_i32_0 = arith.constant 0 : i32
    return %c1_i32, %arg0, %c0_i32 : i32, i32, i32
  }
  func.func @transform_5(%arg0: i32) -> (i32, i32) {
    %c0_i32 = arith.constant 0 : i32
    %c0_i32_0 = arith.constant 0 : i32
    %c0_i32_1 = arith.constant 0 : i32
    return %c0_i32, %c0_i32_0 : i32, i32
  }
  func.func @transform_6(%arg0: i32) -> (i32, i32) {
    %c0_i32 = arith.constant 0 : i32
    %c0_i32_0 = arith.constant 0 : i32
    %c0_i32_1 = arith.constant 0 : i32
    return %c0_i32, %c0_i32_0 : i32, i32
  }
  func.func @transform_7(%arg0: i32) -> (i32, i32) {
    %c0_i32 = arith.constant 0 : i32
    %c0_i32_0 = arith.constant 0 : i32
    %c0_i32_1 = arith.constant 0 : i32
    return %c0_i32, %c0_i32_0 : i32, i32
  }
  func.func @transform_8(%arg0: i32) -> (i32, i32) {
    %c0_i32 = arith.constant 0 : i32
    %c0_i32_0 = arith.constant 0 : i32
    return %arg0, %c0_i32 : i32, i32
  }
}

module attributes {stable_mosaic.version = 14 : i64} {
  func.func @_tc_layer_body(%arg0: i32, %arg1: memref<1000x128xf32, #tpu.memory_space<vmem>>, %arg2: memref<1x1000x128xf32, #tpu.memory_space<vmem>>, %arg3: memref<1x1000x128xf32, #tpu.memory_space<vmem>>, %arg4: memref<1x1000x128xf32, #tpu.memory_space<vmem>>, %arg5: memref<1x1000x128xf32, #tpu.memory_space<vmem>>, %arg6: memref<128x128xf32, #tpu.memory_space<vmem>>, %arg7: memref<128x128xf32, #tpu.memory_space<vmem>>, %arg8: memref<1x128xf32, #tpu.memory_space<vmem>>, %arg9: memref<1000x128xf32, #tpu.memory_space<vmem>>) attributes {dimension_semantics = [#tpu.dimension_semantics<arbitrary>], iteration_bounds = array<i64: 10>, scalar_prefetch = 0 : i64, scratch_operands = 0 : i64, tpu.core_type = #tpu.core_type<tc>, window_params = [{transform_indices = @transform_0, window_bounds = array<i64: 1000, 128>}, {transform_indices = @transform_1, window_bounds = array<i64: 1, 1000, 128>}, {transform_indices = @transform_2, window_bounds = array<i64: 1, 1000, 128>}, {transform_indices = @transform_3, window_bounds = array<i64: 1, 1000, 128>}, {transform_indices = @transform_4, window_bounds = array<i64: 1, 1000, 128>}, {pipeline_mode = #tpu.pipeline_mode<synchronous>, transform_indices = @transform_5, window_bounds = array<i64: 128, 128>}, {pipeline_mode = #tpu.pipeline_mode<synchronous>, transform_indices = @transform_6, window_bounds = array<i64: 128, 128>}, {pipeline_mode = #tpu.pipeline_mode<synchronous>, transform_indices = @transform_7, window_bounds = array<i64: 1, 128>}, {transform_indices = @transform_8, window_bounds = array<i64: 1000, 128>}]} {
    %get3A = arith.constant 0 : index
    %get3A_0 = arith.constant 0 : index
    %get3A_1 = arith.constant 0 : index
    %get3A_2 = vector.load %arg4[%get3A, %get3A_0, %get3A_1] : memref<1x1000x128xf32, #tpu.memory_space<vmem>>, vector<1x1000x128xf32>
    %get3A_3 = vector.shape_cast %get3A_2 : vector<1x1000x128xf32> to vector<1000x128xf32>
    %slice3A = vector.extract_strided_slice %get3A_3 {offsets = [0, 0], sizes = [1000, 1], strides = [1, 1]} : vector<1000x128xf32> to vector<1000x1xf32>
    %get3A_4 = arith.constant 0 : index
    %get3A_5 = arith.constant 0 : index
    %get3A_6 = arith.constant 0 : index
    %get3A_7 = vector.load %arg5[%get3A_4, %get3A_5, %get3A_6] : memref<1x1000x128xf32, #tpu.memory_space<vmem>>, vector<1x1000x128xf32>
    %get3A_8 = vector.shape_cast %get3A_7 : vector<1x1000x128xf32> to vector<1000x128xf32>
    %slice3A_9 = vector.extract_strided_slice %get3A_8 {offsets = [0, 0], sizes = [1000, 1], strides = [1, 1]} : vector<1000x128xf32> to vector<1000x1xf32>
    %add3A = arith.addf %slice3A, %slice3A_9 : vector<1000x1xf32>
    %get3A_10 = arith.constant 0 : index
    %get3A_11 = arith.constant 0 : index
    %get3A_12 = arith.constant 0 : index
    %get3A_13 = vector.load %arg2[%get3A_10, %get3A_11, %get3A_12] : memref<1x1000x128xf32, #tpu.memory_space<vmem>>, vector<1x1000x128xf32>
    %get3A_14 = vector.shape_cast %get3A_13 : vector<1x1000x128xf32> to vector<1000x128xf32>
    %get3A_15 = arith.constant 0 : index
    %get3A_16 = arith.constant 0 : index
    %get3A_17 = arith.constant 0 : index
    %get3A_18 = vector.load %arg3[%get3A_15, %get3A_16, %get3A_17] : memref<1x1000x128xf32, #tpu.memory_space<vmem>>, vector<1x1000x128xf32>
    %get3A_19 = vector.shape_cast %get3A_18 : vector<1x1000x128xf32> to vector<1000x128xf32>
    %add3A_20 = arith.addf %get3A_14, %get3A_19 : vector<1000x128xf32>
    %max3A = arith.constant 1.000000e+00 : f32
    %max3A_21 = vector.broadcast %max3A : f32 to vector<1000x1xf32>
    %max3A_22 = arith.maximumf %add3A, %max3A_21 : vector<1000x1xf32>
    %div3A = arith.constant 1.000000e+00 : f32
    %div3A_23 = vector.broadcast %div3A : f32 to vector<1000x1xf32>
    %div3A_24 = arith.divf %div3A_23, %max3A_22 : vector<1000x1xf32>
    %mul3A = vector.broadcast %div3A_24 : vector<1000x1xf32> to vector<1000x128xf32>
    %mul3A_25 = arith.mulf %add3A_20, %mul3A : vector<1000x128xf32>
    %get3A_26 = arith.constant 0 : index
    %get3A_27 = arith.constant 0 : index
    %get3A_28 = vector.load %arg1[%get3A_26, %get3A_27] : memref<1000x128xf32, #tpu.memory_space<vmem>>, vector<1000x128xf32>
    %get3A_29 = arith.constant 0 : index
    %get3A_30 = arith.constant 0 : index
    %get3A_31 = vector.load %arg6[%get3A_29, %get3A_30] : memref<128x128xf32, #tpu.memory_space<vmem>>, vector<128x128xf32>
    %dot_general3A = arith.constant dense<0.000000e+00> : vector<1000x128xf32>
    %dot_general3A_32 = tpu.matmul %get3A_28, %get3A_31, %dot_general3A {dimension_numbers = #tpu.dot_dimension_numbers<[1], [0], [0], [1], [0, 0, 1, 1], [], []>, transpose_lhs_hint = false} : vector<1000x128xf32>, vector<128x128xf32>, vector<1000x128xf32> -> vector<1000x128xf32>
    %get3A_33 = arith.constant 0 : index
    %get3A_34 = arith.constant 0 : index
    %get3A_35 = vector.load %arg7[%get3A_33, %get3A_34] : memref<128x128xf32, #tpu.memory_space<vmem>>, vector<128x128xf32>
    %dot_general3A_36 = arith.constant dense<0.000000e+00> : vector<1000x128xf32>
    %dot_general3A_37 = tpu.matmul %mul3A_25, %get3A_35, %dot_general3A_36 {dimension_numbers = #tpu.dot_dimension_numbers<[1], [0], [0], [1], [0, 0, 1, 1], [], []>, transpose_lhs_hint = false} : vector<1000x128xf32>, vector<128x128xf32>, vector<1000x128xf32> -> vector<1000x128xf32>
    %add3A_38 = arith.addf %dot_general3A_32, %dot_general3A_37 : vector<1000x128xf32>
    %get3A_39 = arith.constant 0 : index
    %get3A_40 = arith.constant 0 : index
    %get3A_41 = vector.load %arg8[%get3A_39, %get3A_40] : memref<1x128xf32, #tpu.memory_space<vmem>>, vector<1x128xf32>
    %add3A_42 = vector.broadcast %get3A_41 : vector<1x128xf32> to vector<1000x128xf32>
    %add3A_43 = arith.addf %add3A_38, %add3A_42 : vector<1000x128xf32>
    %swap3A = arith.constant 0 : index
    %swap3A_44 = arith.constant 0 : index
    %swap3A_45 = vector.load %arg9[%swap3A, %swap3A_44] : memref<1000x128xf32, #tpu.memory_space<vmem>>, vector<1000x128xf32>
    tpu.vector_store %arg9[%swap3A, %swap3A_44], %add3A_43 {strides = array<i32>} : memref<1000x128xf32, #tpu.memory_space<vmem>>, vector<1000x128xf32>,
    return
  }
  func.func @transform_0(%arg0: i32) -> (i32, i32) {
    %c0_i32 = arith.constant 0 : i32
    %c0_i32_0 = arith.constant 0 : i32
    return %arg0, %c0_i32 : i32, i32
  }
  func.func @transform_1(%arg0: i32) -> (i32, i32, i32) {
    %c0_i32 = arith.constant 0 : i32
    %c0_i32_0 = arith.constant 0 : i32
    %c0_i32_1 = arith.constant 0 : i32
    return %c0_i32, %arg0, %c0_i32_0 : i32, i32, i32
  }
  func.func @transform_2(%arg0: i32) -> (i32, i32, i32) {
    %c1_i32 = arith.constant 1 : i32
    %c0_i32 = arith.constant 0 : i32
    %c0_i32_0 = arith.constant 0 : i32
    return %c1_i32, %arg0, %c0_i32 : i32, i32, i32
  }
  func.func @transform_3(%arg0: i32) -> (i32, i32, i32) {
    %c0_i32 = arith.constant 0 : i32
    %c0_i32_0 = arith.constant 0 : i32
    %c0_i32_1 = arith.constant 0 : i32
    return %c0_i32, %arg0, %c0_i32_0 : i32, i32, i32
  }
  func.func @transform_4(%arg0: i32) -> (i32, i32, i32) {
    %c1_i32 = arith.constant 1 : i32
    %c0_i32 = arith.constant 0 : i32
    %c0_i32_0 = arith.constant 0 : i32
    return %c1_i32, %arg0, %c0_i32 : i32, i32, i32
  }
  func.func @transform_5(%arg0: i32) -> (i32, i32) {
    %c0_i32 = arith.constant 0 : i32
    %c0_i32_0 = arith.constant 0 : i32
    %c0_i32_1 = arith.constant 0 : i32
    return %c0_i32, %c0_i32_0 : i32, i32
  }
  func.func @transform_6(%arg0: i32) -> (i32, i32) {
    %c0_i32 = arith.constant 0 : i32
    %c0_i32_0 = arith.constant 0 : i32
    %c0_i32_1 = arith.constant 0 : i32
    return %c0_i32, %c0_i32_0 : i32, i32
  }
  func.func @transform_7(%arg0: i32) -> (i32, i32) {
    %c0_i32 = arith.constant 0 : i32
    %c0_i32_0 = arith.constant 0 : i32
    %c0_i32_1 = arith.constant 0 : i32
    return %c0_i32, %c0_i32_0 : i32, i32
  }
  func.func @transform_8(%arg0: i32) -> (i32, i32) {
    %c0_i32 = arith.constant 0 : i32
    %c0_i32_0 = arith.constant 0 : i32
    return %arg0, %c0_i32 : i32, i32
  }
}

</mosaic_0001>

<sc_bundles>
// kernel: kernel.10.cloned.1.call-start
scs
__scs_entry_jumppad:
0x0: {  	(pc) =	sbr.rel $0x88, $3  }
0x1: {  	(tag) =	ssettag $0x0;
	lr =	simm.s32 $0x1  }
0x2: {  	[smem:$0x3F99] =	sst lr;
	_ =	strace $0xD0000000  }
0x3: {  	_ = 	snop  }
0x4: {  	_ = 	snop  }
0x5: {  	_ = 	snop  }
0x6: {  	_ = 	snop  }
0x7: {  	_ = 	snop  }
__scs_overlays_trampoline_lowered:
0x8: {  	[smem:$0x3FA8] =	sst s0  }
0x9: {  	[smem:$0x3FA9] =	sst s1  }
0xa: {  	[smem:$0x3FAA] =	sst s2  }
0xb: {  	[smem:$0x3FAB] =	sst s3  }
0xc: {  	[smem:$0x3FAC] =	sst s4  }
0xd: {  	[smem:$0x3FAD] =	sst s5  }
0xe: {  	[smem:$0x3FAE] =	sst s6  }
0xf: {  	[smem:$0x3FAF] =	sst s7  }
0x10: {  	[smem:$0x3FB0] =	sst s8  }
0x11: {  	[smem:$0x3FB1] =	sst s9;
	s0 =	simm.s32 @!p0 $0x0  }
0x12: {  	s1 =	sld [smem:$0x3F97];
	s0 =	simm.s32 @p0 $0x1  }
0x13: {  	[smem:$0x3FB2] =	sst s0;
	s0 =	simm.s32 @!p1 $0x0  }
0x14: {  	s2 =	sld [smem:$0x3F96];
	s0 =	simm.s32 @p1 $0x1  }
0x15: {  	[smem:$0x3FB3] =	sst s0;
	s0 =	simm.s32 @!p2 $0x0  }
0x16: {  	s3 =	sld [smem:$0x3FDB];
	s0 =	simm.s32 @p2 $0x1  }
0x17: {  	s4 =	simm.s32 $0x1BF5;
	[smem:$0x3FB5] =	sst s0  }
0x18: {  	s0 =	sld [smem:$0x3F98];
	_ =	swait.ge [sflag:s4], $0x0  }
0x19: {  	s7 =	sld [smem:$0x3F99]  }
0x1a: {  	s8 =	sadd.s32 $0xFFFFE003, lr  }
0x1b: {  	s9 =	sadd.s32 $0xFFFFFEF7, lr;
	s5 =	simm.s32 $0xFFFFFFFF;
	p2 =	slt.u32 s8, $0xFFFFF086  }
0x1c: {  	p1 =	slt.u32 s9, $0xF7A;
	s5 =	simm.s32 @!p2 $0x0  }
0x1d: {  	s5 =	simm.s32 @p1 $0x1;
	p0 =	seq.s32 s7, s2  }
0x1e: {  	s7 =	smul.u32 @!p0 $0xF7A, s2;
	p2 =	seq.s32 @!p0 s5, $0x0  }
0x1f: {  	s9 =	smul.u32 $0xF7A, s1;
	s8 =	simm.s32 @!p0 $0x1BF5;
	p2 =	por !p2, p0  }
0x20: {  	[sflag:s8] =	ssyncset.s32 @!p0 $0xFFFFF086;
	s6 =	sadd.s32 @!p0 s3, s7;
	s7 =	simm.s32 @!p0 $0x108  }
0x21: {  	s3 =	sadd.s32 s3, s9;
	s6 =	sadd.s32 @!p0 $0x88, s6;
	s7 =	simm.s32 @p2 $0x1082  }
0x22: {  	[simem:s7], [sflag:s8] =	dma.local @!p0 [hbm:s6], $0xF7A  }
0x23: {  	s9 =	sor.u32 $0xD0000000, s2;
	s6 =	simm.s32 $0x108;
	_ =	swait.ge @!p0 [sflag:s8], $0x0  }
0x24: {  	s3 =	sadd.s32 $0x88, s3;
	s6 =	simm.s32 @!p1 $0x1082;
	[sflag:s4] =	ssyncset.s32 $0xFFFFF086  }
0x25: {  	[simem:s6], [sflag:s4] =	dma.local [hbm:s3], $0xF7A  }
0x26: {  	[smem:$0x3F99] =	sst s1;
	(tag) =	ssettag s2;
	_ =	strace s9  }
0x27: {  	s1 =	sld [smem:$0x3FA9]  }
0x28: {  	s2 =	sld [smem:$0x3FAA]  }
0x29: {  	s4 =	sld [smem:$0x3FAC]  }
0x2a: {  	p0 =	seq.s32 s5, $0x0;
	s5 =	sld [smem:$0x3FAD]  }
0x2b: {  	s6 =	sld [smem:$0x3FAE]  }
0x2c: {  	s7 =	sld [smem:$0x3FAF]  }
0x2d: {  	s3 =	simm.s32 $0x108;
	s8 =	sld [smem:$0x3FB0]  }
0x2e: {  	s3 =	simm.s32 @!p0 $0x1082;
	s9 =	sld [smem:$0x3FB1]  }
0x2f: {  	lr =	sadd.s32 s0, s3;
	s0 =	sld [smem:$0x3FA8]  }
0x30: {  	s3 =	sld [smem:$0x3FAB]  }
0x31: {  	[smem:$0x3FB4] =	sst s10  }
0x32: {  	s10 =	sld [smem:$0x3FB2];
	_ =	sdelay $0x3  }
0x33: {  	p0 =	seq.s32 s10, $0x1;
	s10 =	sld [smem:$0x3FB4];
	_ =	sdelay $0x3  }
0x34: {  	[smem:$0x3FB4] =	sst s10  }
0x35: {  	s10 =	sld [smem:$0x3FB3];
	_ =	sdelay $0x3  }
0x36: {  	p1 =	seq.s32 s10, $0x1;
	s10 =	sld [smem:$0x3FB4];
	_ =	sdelay $0x3  }
0x37: {  	[smem:$0x3FB4] =	sst s10  }
0x38: {  	s10 =	sld [smem:$0x3FB5]  }
0x39: {  	_ = 	snop;
	(pc) =	sbr.ind lr, $3  }
0x3a: {  	_ = 	snop  }
0x3b: {  	_ = 	snop  }
0x3c: {  	p2 =	seq.s32 s10, $0x1;
	s10 =	sld [smem:$0x3FB4]  }
0x3d: {  	_ =	shalt  }
0x3e: {  	_ =	shalt  }
0x3f: {  	_ =	shalt  }
0x40: {  	_ =	shalt  }
0x41: {  	_ =	shalt  }
0x42: {  	_ =	shalt  }
0x43: {  	_ =	shalt  }
0x44: {  	_ =	shalt  }
0x45: {  	_ =	shalt  }
0x46: {  	_ =	shalt  }
0x47: {  	_ =	shalt  }
0x48: {  	_ =	shalt  }
0x49: {  	_ =	shalt  }
0x4a: {  	_ =	shalt  }
0x4b: {  	_ =	shalt  }
0x4c: {  	_ =	shalt  }
0x4d: {  	_ =	shalt  }
0x4e: {  	_ =	shalt  }
0x4f: {  	_ =	shalt  }
0x50: {  	_ =	shalt  }
0x51: {  	_ =	shalt  }
0x52: {  	_ =	shalt  }
0x53: {  	_ =	shalt  }
0x54: {  	_ =	shalt  }
0x55: {  	_ =	shalt  }
0x56: {  	_ =	shalt  }
0x57: {  	_ =	shalt  }
0x58: {  	_ =	shalt  }
0x59: {  	_ =	shalt  }
0x5a: {  	_ =	shalt  }
0x5b: {  	_ =	shalt  }
0x5c: {  	_ =	shalt  }
0x5d: {  	_ =	shalt  }
0x5e: {  	_ =	shalt  }
0x5f: {  	_ =	shalt  }
0x60: {  	_ =	shalt  }
0x61: {  	_ =	shalt  }
0x62: {  	_ =	shalt  }
0x63: {  	_ =	shalt  }
0x64: {  	_ =	shalt  }
0x65: {  	_ =	shalt  }
0x66: {  	_ =	shalt  }
0x67: {  	_ =	shalt  }
0x68: {  	_ =	shalt  }
0x69: {  	_ =	shalt  }
0x6a: {  	_ =	shalt  }
0x6b: {  	_ =	shalt  }
0x6c: {  	_ =	shalt  }
0x6d: {  	_ =	shalt  }
0x6e: {  	_ =	shalt  }
0x6f: {  	_ =	shalt  }
0x70: {  	_ =	shalt  }
0x71: {  	_ =	shalt  }
0x72: {  	_ =	shalt  }
0x73: {  	_ =	shalt  }
0x74: {  	_ =	shalt  }
0x75: {  	_ =	shalt  }
0x76: {  	_ =	shalt  }
0x77: {  	_ =	shalt  }
0x78: {  	_ =	shalt  }
0x79: {  	_ =	shalt  }
0x7a: {  	_ =	shalt  }
0x7b: {  	_ =	shalt  }
0x7c: {  	_ =	shalt  }
0x7d: {  	_ =	shalt  }
0x7e: {  	_ =	shalt  }
0x7f: {  	_ =	shalt  }
0x80: {  	_ =	shalt  }
0x81: {  	_ =	shalt  }
0x82: {  	_ =	shalt  }
0x83: {  	_ =	shalt  }
0x84: {  	_ =	shalt  }
0x85: {  	_ =	shalt  }
0x86: {  	_ =	shalt  }
0x87: {  	_ =	shalt  }
.Lfunc_end0:
.L_simem_size_0:
called_computation.1_lowered:
.L_overlay_start_0:
0x88: {  	s2 =	sld [smem:$0x3FD9]  }
0x89: {  	s3 =	sld [smem:$0x3FFE];
	_ =	sdelay $0x1  }
0x8a: {  	s1 =	srdreg.scid  }
0x8b: {  	s0 =	sand.u32 $0x1, s1  }
0x8c: {  	s17 =	sshll.u32 s0, $0xA;
	s2 =	sadd.s32 s3, s2  }
0x8d: {  	s2 =	sadd.s32 s2, s17  }
0x8e: {  	[smem:$0x3FC0] =	sst s2  }
0x8f: {  	_ = 	snop  }
0x90: {  	s2 =	sld [smem:$0x3FC9];
	(tm) =	ssettm $0x1  }
0x91: {  	s18 =	sld [smem:$0x3FFB];
	_ =	sdelay $0x3  }
0x92: {  	_ =	strace s18  }
0x93: {  	s3 =	sld [smem:$0x3FFC];
	_ =	sdelay $0x3  }
0x94: {  	_ =	strace s3  }
0x95: {  	s3 =	sld [smem:$0x3FFD];
	_ =	sdelay $0x3  }
0x96: {  	_ =	strace s3  }
0x97: {  	_ =	strace $0x8FFFFFFF  }
0x98: {  	s19 =	sld [smem:$0x3FDB];
	_ =	sdelay $0x1  }
0x99: {  	s4 =	simm.s32 $_scs_section_size  }
0x9a: {  	s5 =	simm.s32 $_size__tile_overlayer_lowered;
	s6 =	simm.s32 $_tile_overlayer_lowered  }
0x9b: {  	s22 =	simm.s32 $0x1BFF;
	s21 =	sshll.u32 s6, $0x1;
	s3 =	sadd.s32 s4, s19  }
0x9c: {  	s7 =	simm.s32 $0x0;
	s20 =	sshll.u32 s5, $0x1;
	s5 =	sadd.s32 s21, s3  }
0x9d: {  	[timem:s7], [sflag:s22] =	dma.local [hbm:s5], s20  }
0x9e: {  	_ =	swait.ge [sflag:s22], s20  }
0x9f: {  	s4 =	ssub.s32 $0x0, s20;
	[sflag:s22] =	ssyncset.done $0x0  }
0xa0: {  	[sflag:s22] =	ssyncadd.s32 s4;
	_ =	sdelay $0x1  }
0xa1: {  	s23 =	simm.s32 $0x1B8B  }
0xa2: {  	_ =	swait.ge [sflag:s23], $0x1  }
0xa3: {  	[sflag:s23] =	ssyncset.done $0x0  }
0xa4: {  	s25 =	simm.s32 $0x1B8E;
	s24 =	sld [smem:$0x3FFE];
	[sflag:s23] =	ssyncadd.s32 $0xFFFFFFFF  }
0xa5: {  	s26 =	simm.s32 $execute0_lowered;
	[smem:$0x3FD2] =	sst s25  }
0xa6: {  	s5 =	sshll.u32 s26, $0x1;
	_ =	strace $0x80000046;
	[dreg:$0x1] =	wrdreg $0xFFFFFFFF  }
0xa7: {  	s28 =	simm.s32 $_size_execute0_lowered;
	s3 =	sadd.s32 s3, s5;
	[dreg:$0x0] =	wrdreg $0x0  }
0xa8: {  	s5 =	sshll.u32 s28, $0x1;
	[dreg:$0x2] =	wrdreg s3  }
0xa9: {  	[dreg:$0x3] =	wrdreg s5  }
0xaa: {  	[dreg:$0x4] =	wrdreg $0xC0  }
0xab: {  	_ =	task [dreg:s7], $0x5FFFF  }
0xac: {  	[dreg:$0x1] =	wrdreg $0xFFFFFFFF  }
0xad: {  	[dreg:$0x0] =	wrdreg $0x60  }
0xae: {  	[dreg:$0x2] =	wrdreg s2  }
0xaf: {  	[dreg:$0x3] =	wrdreg s24  }
0xb0: {  	[dreg:$0x4] =	wrdreg $0x0  }
0xb1: {  	[dreg:$0x5] =	wrdreg $0xA  }
0xb2: {  	_ =	task.clear_ibuf [dreg:s7], $0x6FFFF;
	_ =	strace $0x90000046  }
0xb3: {  	s29 =	simm.s32 $0xA;
	_ =	strace $0x80000048  }
0xb4: {  	_ =	swait.ge [sflag:s29], $0x1  }
0xb5: {  	[sflag:s29] =	ssyncadd.s32 $0xFFFFFFFF  }
0xb6: {  	_ =	strace $0x90000048  }
0xb7: {  	_ =	sfence  }
0xb8: {  	s30 =	sld [smem:$0x0];
	_ =	sdelay $0x2  }
0xb9: {  	s31 =	sshll.u32 s1, $0xD;
	s1 =	sshrl.u32 s1, $0x2  }
0xba: {  	s3 =	sand.u32 $0x4000, s31;
	s1 =	sadd.s32 s1, s30  }
0xbb: {  	s0 =	sor.u32 s3, s0;
	s1 =	sshll.u32 s1, $0x11  }
0xbc: {  	s0 =	sor.u32 s1, s0  }
0xbd: {  	s0 =	sadd.s32 $0x8F2B, s0  }
0xbe: {  	[sflag:s0] =	ssyncadd.remote.s32 $0x1  }
0xbf: {  	_ =	sfence.sel $0xFFFF  }
0xc0: {  	[dreg:$0x0] =	wrdreg $0xFFFFFFFF;
	(pc) =	sbr.abs _section_cstart, $3  }
0xc1: {  	[dreg:$0x1] =	wrdreg $0xFFFFFFFF  }
0xc2: {  	_ =	task.clear_ibuf [dreg:s7], $0x2FFFF;
	_ =	strace $0x9FFFFFFF  }
0xc3: {  	(tm) =	ssettm $0x7FFFFFFF  }
tec
execute0_lowered:
.L_overlay_start_1:
0x0: {  	(tag) =	ssettag $0x1  }
0x1: {  	s0 =	rddreg [dreg:$0x0]  }
0x2: {  	s1 =	rddreg [dreg:$0x1]  }
0x3: {  	s2 =	srdreg.scid;
	s3 =	rddreg [dreg:$0x2]  }
0x4: {  	s12 =	stileid.u32;
	s4 =	simm.s32 $0x0;
	s15 =	simm.s32 $0x3  }
0x5: {  	s17 =	simm.s32 $0x40;
	s18 =	simm.s32 $0x15C00;
	s19 =	simm.s32 $0x1  }
0x6: {  	s20 =	simm.s32 $0x17C00;
	s21 =	simm.s32 $0x19C00;
	s22 =	simm.s32 $0x1BC00  }
0x7: {  	s23 =	simm.s32 $0x2;
	s24 =	simm.s32 $0x0;
	s7 =	smul.u32 $0x13C00, s12  }
0x8: {  	s2 =	sand.u32 $0x1, s2;
	[smem:$0x7FF] =	sst s4;
	s10 =	smul.u32 $0x4F000, s12  }
0x9: {  	s5 =	sadd.s32 $0x2400, s1;
	s6 =	smul.u32 $0x13C000, s2;
	s9 =	ssub.s32 $0x2, s2  }
0xa: {  	_ =	strace $0x80000047;
	s2 =	sshll.u32 s2, $0x4;
	s11 =	sshrl.u32 s9, $0x1  }
0xb: {  	s2 =	sor.u32 s12, s2;
	s10 =	sshrl.u32 s10, $0x2;
	s12 =	sshll.u32 s12, $0x6  }
.Ltmp0:
0xc: {  	s8 =	sadd.s32 s7, s6;
	s6 =	sadd.s32 $0x16400, s1;
	(pc) =	sbr.rel .LBB2_1-.Ltmp0, $4  }
0xd: {  	s7 =	sadd.s32 $0x2A400, s1;
	s31 =	ssub.s32 s9, s11;
	s8 =	sshrl.u32 s8, $0x3  }
0xe: {  	s14 =	sadd.s32 s10, s3;
	s1 =	sadd.s32 s8, s1;
	s8 =	smul.u32 $0xA00, s2  }
0xf: {  	s9 =	sor.u32 $0x1C03, s12;
	s13 =	smax.u32 s31, $0x1;
	s14 =	sshrl.u32 s14, $0x3  }
0x10: {  	s12 =	sadd.s32 $0x2CC00, s1;
	s10 =	sadd.s32 s5, s8;
	s11 =	sadd.s32 s6, s8  }
.LBB2_6:
0x11: {  	s24 =	sadd.s32 $0x1, s24  }
0x12: {  	p0 =	sne.s32 s24, s13  }
.Ltmp1:
0x13: {  	[bflag:$0x0] =	sbarrier.arrive $0xFFFF;
	(pc) =	sbr.rel @!p0 .LBB2_7-.Ltmp1, $4  }
0x14: {  	[hbm:s12], [sflag:s9] =	dma.local [spmem:s14], $0x2780  }
0x15: {  	_ =	swait.ge [sflag:s15], $0x2780  }
0x16: {  	[sflag:s15] =	ssyncset.done $0x0  }
0x17: {  	[sflag:s15] =	ssyncadd.s32 $0xFFFFD880  }
.LBB2_1:
0x18: {  	[spmem:s14], [sflag:s9] =	dma.local [hbm:s7], $0x2780  }
0x19: {  	_ =	swait.ge [sflag:s15], $0x2780  }
0x1a: {  	[sflag:s15] =	ssyncset.done $0x0  }
0x1b: {  	s26 =	simm.s32 $0x13C00;
	[sflag:s15] =	ssyncadd.s32 $0xFFFFD880  }
0x1c: {  	[tilespmem:s26], [sflag:$0x3] =	stream.linear.gather [hbm4b:s10+s4], $0x800, $0x38;
	[tilespmem:$0x1DC00] =	vst v63  }
0x1d: {  	_ =	swait.ge [sflag:s15], $0x800  }
0x1e: {  	[sflag:s15] =	ssyncset.done $0x0  }
0x1f: {  	s1 =	simm.s32 $0x14C00;
	[sflag:s15] =	ssyncadd.s32 $0xFFFFF800  }
0x20: {  	[tilespmem:s1], [sflag:$0x3] =	stream.linear.gather [hbm4b:s11+s4], $0x800, $0x38;
	[tilespmem:$0x1DC00] =	vst v63  }
0x21: {  	_ =	swait.ge [sflag:s15], $0x800  }
0x22: {  	[sflag:s15] =	ssyncset.done $0x0  }
0x23: {  	[sflag:s15] =	ssyncadd.s32 $0xFFFFF800  }
0x24: {  	p0 =	por $0x0, $0x0;
	s25 =	simm.s32 $0x0;
	[bflag:$0x0] =	sbarrier.arrive $0xFFFF  }
0x25: {  	[tilespmem:s18], [sflag:$0x1] =	stream.indirect.gather [hbm4b:s0+s17], $0x80, s26, s17, $0xb8;
	[tilespmem:$0x1DC00] =	vst v63  }
.LBB2_2:
0x26: {  	s1 =	sadd.s32 $0x80, s26  }
0x27: {  	[tilespmem:s20], [sflag:$0x1] =	stream.indirect.gather [hbm4b:s0+s17], $0x80, s1, s17, $0xb8;
	[tilespmem:$0x1DC00] =	vst v63  }
0x28: {  	s2 =	sadd.s32 $0x100, s26;
	s1 =	simm.s32 $0x1  }
0x29: {  	[tilespmem:s21], [sflag:$0x1] =	stream.indirect.gather [hbm4b:s0+s17], $0x80, s2, s17, $0xb8;
	[tilespmem:$0x1DC00] =	vst v63  }
0x2a: {  	s16 =	sshll.u32 s25, $0xB;
	_ =	swait.ge [sflag:s1], $0x2000  }
0x2b: {  	s28 =	sand.u32 $0x800, s16;
	s2 =	simm.s32 $0x1;
	[sflag:s1] =	ssyncset.done $0x0  }
0x2c: {  	s26 =	sadd.s32 $0x14C00, s28;
	s2 =	simm.s32 @!p0 $0x0;
	[sflag:s1] =	ssyncadd.s32 $0xFFFFE000  }
0x2d: {  	[spmem:s3] =	stream.indirect.scatter.add.f32 [tilespmem:s18], [sflag:$0x2], $0x80, s26, s17, $0xb8;
	[tilespmem:$0x1DC00] =	vst v63  }
0x2e: {  	s30 =	simm.s32 $0x20000;
	s16 =	sadd.s32 $0x13D80, s28;
	s2 =	sshll.u32 s2, $0xB  }
0x2f: {  	[tilespmem:s22], [sflag:$0x1] =	stream.indirect.gather [hbm4b:s0+s17], $0x80, s16, s17, $0xb8;
	[tilespmem:$0x1DC00] =	vst v63  }
0x30: {  	p1 =	por $0x0, $0x0;
	s1 =	sadd.s32 $0x14C80, s2;
	s16 =	simm.s32 $0x8000  }
0x31: {  	s26 =	sadd.s32 $0x13E00, s2;
	_ =	swait.ge [sflag:s19], $0x2000;
	s2 =	sand.u32 $0x18000, s16  }
0x32: {  	s31 =	simm.s32 $0x2;
	[sflag:s19] =	ssyncset.done $0x0;
	s2 =	sshrl.u32 s2, $0x2  }
0x33: {  	s28 =	simm.s32 $0x28000;
	[sflag:s19] =	ssyncadd.s32 $0xFFFFE000;
	s2 =	sadd.s32 $0x15C00, s2  }
0x34: {  	[spmem:s3] =	stream.indirect.scatter.add.f32 [tilespmem:s2], [sflag:$0x2], $0x80, s1, s17, $0xb8;
	[tilespmem:$0x1DC00] =	vst v63  }
0x35: {  	s29 =	sadd.s32 $0x80, s1;
	s1 =	sand.u32 @!p1 $0x18000, s30;
	_ =	swait.ge [sflag:s23], $0x2000  }
0x36: {  	s30 =	sadd.s32 $0x80, s26;
	s1 =	sshrl.u32 @!p1 s1, $0x2;
	[sflag:s23] =	ssyncset.done $0x0  }
0x37: {  	s2 =	simm.s32 @!p1 $0x40;
	s1 =	sadd.s32 @!p1 $0x15C00, s1;
	[sflag:s23] =	ssyncadd.s32 $0xFFFFE000  }
.LBB2_3:
0x38: {  	[tilespmem:s1], [sflag:$0x1] =	stream.indirect.gather @!p1 [hbm4b:s0+s2], $0x80, s26, s2, $0xb8;
	[tilespmem:$0x1DC00] =	vst v63  }
0x39: {  	s1 =	smov.u32 s28;
	s2 =	smov.u32 s29;
	s26 =	smov.u32 s30  }
0x3a: {  	s28 =	sadd.s32 $0x8000, s28;
	s16 =	sadd.s32 $0xFFFE8000, s1;
	_ =	swait.ge [sflag:s19], $0x2000  }
0x3b: {  	p2 =	sne.s32 s28, $0x98000;
	s16 =	sand.u32 $0x18000, s16;
	[sflag:s19] =	ssyncset.done $0x0  }
0x3c: {  	s29 =	sadd.s32 $0x80, s29;
	s16 =	sshrl.u32 s16, $0x2;
	[sflag:s19] =	ssyncadd.s32 $0xFFFFE000  }
.Ltmp2:
0x3d: {  	p1 =	sgt.u32 s31, $0xC;
	s16 =	sadd.s32 $0x15C00, s16;
	(pc) =	sbr.rel @p2 .LBB2_3-.Ltmp2, $4  }
0x3e: {  	[spmem:s3] =	stream.indirect.scatter.add.f32 [tilespmem:s16], [sflag:$0x2], $0x80, s2, s17, $0xb8;
	[tilespmem:$0x1DC00] =	vst v63  }
0x3f: {  	s30 =	sadd.s32 $0x80, s30;
	s1 =	sand.u32 @!p1 $0x18000, s1;
	_ =	swait.ge [sflag:s23], $0x2000  }
0x40: {  	s31 =	sadd.s32 $0x1, s31;
	s1 =	sshrl.u32 @!p1 s1, $0x2;
	[sflag:s23] =	ssyncset.done $0x0  }
0x41: {  	s1 =	sadd.s32 @!p1 $0x15C00, s1;
	s2 =	simm.s32 @!p1 $0x40;
	[sflag:s23] =	ssyncadd.s32 $0xFFFFE000  }
0x42: {  	[tilespmem:s1], [sflag:$0x1] =	stream.indirect.gather @!p1 [hbm4b:s0+s2], $0x80, s26, s2, $0xb8;
	[tilespmem:$0x1DC00] =	vst v63  }
0x43: {  	p1 =	seq.s32 s25, $0x9  }
.Ltmp3:
0x44: {  	_ = 	snop;
	(pc) =	sbr.rel @p1 .LBB2_6-.Ltmp3, $4  }
0x45: {  	_ = 	snop  }
0x46: {  	_ =	swait.ge [sflag:s23], $0x2000  }
0x47: {  	[sflag:s23] =	ssyncset.done $0x0  }
0x48: {  	[sflag:s23] =	ssyncadd.s32 $0xFFFFE000  }
0x49: {  	s25 =	sadd.s32 $0x1, s25  }
0x4a: {  	s1 =	sshll.u32 s25, $0xB;
	s2 =	sshll.u32 s25, $0x8  }
0x4b: {  	s1 =	sand.u32 $0x800, s1;
	s2 =	sadd.s32 s8, s2  }
0x4c: {  	s26 =	sadd.s32 $0x13C00, s1;
	s16 =	sadd.s32 s5, s2  }
0x4d: {  	[tilespmem:s26], [sflag:$0x3] =	stream.linear.gather [hbm4b:s16+s4], $0x800, $0x38;
	[tilespmem:$0x1DC00] =	vst v63  }
0x4e: {  	_ =	swait.ge [sflag:s15], $0x800  }
0x4f: {  	[sflag:s15] =	ssyncset.done $0x0  }
0x50: {  	s1 =	sadd.s32 $0x14C00, s1;
	s2 =	sadd.s32 s6, s2;
	[sflag:s15] =	ssyncadd.s32 $0xFFFFF800  }
0x51: {  	[tilespmem:s1], [sflag:$0x3] =	stream.linear.gather [hbm4b:s2+s4], $0x800, $0x38;
	[tilespmem:$0x1DC00] =	vst v63  }
.Ltmp4:
0x52: {  	_ = 	snop;
	(pc) =	sbr.rel .LBB2_2-.Ltmp4, $4  }
0x53: {  	_ =	swait.ge [sflag:s15], $0x800  }
0x54: {  	[sflag:s15] =	ssyncset.done $0x0  }
0x55: {  	p0 =	por !p0, !p0;
	[sflag:s15] =	ssyncadd.s32 $0xFFFFF800  }
0x56: {  	[tilespmem:s18], [sflag:$0x1] =	stream.indirect.gather [hbm4b:s0+s17], $0x80, s26, s17, $0xb8;
	[tilespmem:$0x1DC00] =	vst v63  }
.LBB2_7:
0x57: {  	_ =	sfence.sel $0x180000  }
0x58: {  	[bflag:$0x0] =	sbarrier.arrive $0xFFFF  }
0x59: {  	_ =	strace $0x90000047  }
0x5a: {  	s0 =	stileid.u32;
	[bflag:$0x2] =	sbarrier.arrive $0xFFFF  }
0x5b: {  	p0 =	sne.s32 s0, $0x0;
	s0 =	rddreg [dreg:$0x3]  }
0x5c: {  	s0 =	sadd.s32 @!p0 $0x100000, s0  }
0x5d: {  	[sflag:s0] =	ssyncadd.tile.s32 @!p0 $0x1;
	_ =	shalt  }
.Lfunc_end2:
_tile_overlayer_lowered:
.L_overlay_start_2:
0x5e: {  	(tag) =	ssettag $0x2  }
0x5f: {  	s0 =	rddreg [dreg:$0x0];
	s2 =	stileid.u32  }
0x60: {  	s1 =	rddreg [dreg:$0x1];
	p0 =	sne.s32 s2, $0x0  }
0x61: {  	s3 =	rddreg [dreg:$0x2];
	[bflag:$0x3] =	sbarrier.arrive $0xFFFF;
	s2 =	simm.s32 @!p0 $0x1C03  }
0x62: {  	[timem:s3], [sflag:s2] =	dma.local @!p0 [hbm:s0], s1  }
0x63: {  	s0 =	simm.s32 @!p0 $0x3  }
0x64: {  	_ =	swait.ge @!p0 [sflag:s0], s1  }
0x65: {  	s1 =	ssub.s32 @!p0 $0x0, s1;
	[sflag:s0] =	ssyncset.done @!p0 $0x0  }
0x66: {  	[sflag:s0] =	ssyncadd.s32 @!p0 s1  }
0x67: {  	[bflag:$0x3] =	sbarrier.arrive $0xFFFF  }
0x68: {  	_ =	shalt  }

// kernel: kernel.13.cloned.1.call-start
scs
__scs_entry_jumppad:
0x0: {  	(pc) =	sbr.rel $0x88, $3  }
0x1: {  	(tag) =	ssettag $0x0;
	lr =	simm.s32 $0x1  }
0x2: {  	[smem:$0x3F99] =	sst lr;
	_ =	strace $0xD0000000  }
0x3: {  	_ = 	snop  }
0x4: {  	_ = 	snop  }
0x5: {  	_ = 	snop  }
0x6: {  	_ = 	snop  }
0x7: {  	_ = 	snop  }
__scs_overlays_trampoline_lowered:
0x8: {  	[smem:$0x3FA8] =	sst s0  }
0x9: {  	[smem:$0x3FA9] =	sst s1  }
0xa: {  	[smem:$0x3FAA] =	sst s2  }
0xb: {  	[smem:$0x3FAB] =	sst s3  }
0xc: {  	[smem:$0x3FAC] =	sst s4  }
0xd: {  	[smem:$0x3FAD] =	sst s5  }
0xe: {  	[smem:$0x3FAE] =	sst s6  }
0xf: {  	[smem:$0x3FAF] =	sst s7  }
0x10: {  	[smem:$0x3FB0] =	sst s8  }
0x11: {  	[smem:$0x3FB1] =	sst s9;
	s0 =	simm.s32 @!p0 $0x0  }
0x12: {  	s1 =	sld [smem:$0x3F97];
	s0 =	simm.s32 @p0 $0x1  }
0x13: {  	[smem:$0x3FB2] =	sst s0;
	s0 =	simm.s32 @!p1 $0x0  }
0x14: {  	s2 =	sld [smem:$0x3F96];
	s0 =	simm.s32 @p1 $0x1  }
0x15: {  	[smem:$0x3FB3] =	sst s0;
	s0 =	simm.s32 @!p2 $0x0  }
0x16: {  	s3 =	sld [smem:$0x3FDB];
	s0 =	simm.s32 @p2 $0x1  }
0x17: {  	s4 =	simm.s32 $0x1BF5;
	[smem:$0x3FB5] =	sst s0  }
0x18: {  	s0 =	sld [smem:$0x3F98];
	_ =	swait.ge [sflag:s4], $0x0  }
0x19: {  	s7 =	sld [smem:$0x3F99]  }
0x1a: {  	s8 =	sadd.s32 $0xFFFFE003, lr  }
0x1b: {  	s9 =	sadd.s32 $0xFFFFFEF7, lr;
	s5 =	simm.s32 $0xFFFFFFFF;
	p2 =	slt.u32 s8, $0xFFFFF086  }
0x1c: {  	p1 =	slt.u32 s9, $0xF7A;
	s5 =	simm.s32 @!p2 $0x0  }
0x1d: {  	s5 =	simm.s32 @p1 $0x1;
	p0 =	seq.s32 s7, s2  }
0x1e: {  	s7 =	smul.u32 @!p0 $0xF7A, s2;
	p2 =	seq.s32 @!p0 s5, $0x0  }
0x1f: {  	s9 =	smul.u32 $0xF7A, s1;
	s8 =	simm.s32 @!p0 $0x1BF5;
	p2 =	por !p2, p0  }
0x20: {  	[sflag:s8] =	ssyncset.s32 @!p0 $0xFFFFF086;
	s6 =	sadd.s32 @!p0 s3, s7;
	s7 =	simm.s32 @!p0 $0x108  }
0x21: {  	s3 =	sadd.s32 s3, s9;
	s6 =	sadd.s32 @!p0 $0x88, s6;
	s7 =	simm.s32 @p2 $0x1082  }
0x22: {  	[simem:s7], [sflag:s8] =	dma.local @!p0 [hbm:s6], $0xF7A  }
0x23: {  	s9 =	sor.u32 $0xD0000000, s2;
	s6 =	simm.s32 $0x108;
	_ =	swait.ge @!p0 [sflag:s8], $0x0  }
0x24: {  	s3 =	sadd.s32 $0x88, s3;
	s6 =	simm.s32 @!p1 $0x1082;
	[sflag:s4] =	ssyncset.s32 $0xFFFFF086  }
0x25: {  	[simem:s6], [sflag:s4] =	dma.local [hbm:s3], $0xF7A  }
0x26: {  	[smem:$0x3F99] =	sst s1;
	(tag) =	ssettag s2;
	_ =	strace s9  }
0x27: {  	s1 =	sld [smem:$0x3FA9]  }
0x28: {  	s2 =	sld [smem:$0x3FAA]  }
0x29: {  	s4 =	sld [smem:$0x3FAC]  }
0x2a: {  	p0 =	seq.s32 s5, $0x0;
	s5 =	sld [smem:$0x3FAD]  }
0x2b: {  	s6 =	sld [smem:$0x3FAE]  }
0x2c: {  	s7 =	sld [smem:$0x3FAF]  }
0x2d: {  	s3 =	simm.s32 $0x108;
	s8 =	sld [smem:$0x3FB0]  }
0x2e: {  	s3 =	simm.s32 @!p0 $0x1082;
	s9 =	sld [smem:$0x3FB1]  }
0x2f: {  	lr =	sadd.s32 s0, s3;
	s0 =	sld [smem:$0x3FA8]  }
0x30: {  	s3 =	sld [smem:$0x3FAB]  }
0x31: {  	[smem:$0x3FB4] =	sst s10  }
0x32: {  	s10 =	sld [smem:$0x3FB2];
	_ =	sdelay $0x3  }
0x33: {  	p0 =	seq.s32 s10, $0x1;
	s10 =	sld [smem:$0x3FB4];
	_ =	sdelay $0x3  }
0x34: {  	[smem:$0x3FB4] =	sst s10  }
0x35: {  	s10 =	sld [smem:$0x3FB3];
	_ =	sdelay $0x3  }
0x36: {  	p1 =	seq.s32 s10, $0x1;
	s10 =	sld [smem:$0x3FB4];
	_ =	sdelay $0x3  }
0x37: {  	[smem:$0x3FB4] =	sst s10  }
0x38: {  	s10 =	sld [smem:$0x3FB5]  }
0x39: {  	_ = 	snop;
	(pc) =	sbr.ind lr, $3  }
0x3a: {  	_ = 	snop  }
0x3b: {  	_ = 	snop  }
0x3c: {  	p2 =	seq.s32 s10, $0x1;
	s10 =	sld [smem:$0x3FB4]  }
0x3d: {  	_ =	shalt  }
0x3e: {  	_ =	shalt  }
0x3f: {  	_ =	shalt  }
0x40: {  	_ =	shalt  }
0x41: {  	_ =	shalt  }
0x42: {  	_ =	shalt  }
0x43: {  	_ =	shalt  }
0x44: {  	_ =	shalt  }
0x45: {  	_ =	shalt  }
0x46: {  	_ =	shalt  }
0x47: {  	_ =	shalt  }
0x48: {  	_ =	shalt  }
0x49: {  	_ =	shalt  }
0x4a: {  	_ =	shalt  }
0x4b: {  	_ =	shalt  }
0x4c: {  	_ =	shalt  }
0x4d: {  	_ =	shalt  }
0x4e: {  	_ =	shalt  }
0x4f: {  	_ =	shalt  }
0x50: {  	_ =	shalt  }
0x51: {  	_ =	shalt  }
0x52: {  	_ =	shalt  }
0x53: {  	_ =	shalt  }
0x54: {  	_ =	shalt  }
0x55: {  	_ =	shalt  }
0x56: {  	_ =	shalt  }
0x57: {  	_ =	shalt  }
0x58: {  	_ =	shalt  }
0x59: {  	_ =	shalt  }
0x5a: {  	_ =	shalt  }
0x5b: {  	_ =	shalt  }
0x5c: {  	_ =	shalt  }
0x5d: {  	_ =	shalt  }
0x5e: {  	_ =	shalt  }
0x5f: {  	_ =	shalt  }
0x60: {  	_ =	shalt  }
0x61: {  	_ =	shalt  }
0x62: {  	_ =	shalt  }
0x63: {  	_ =	shalt  }
0x64: {  	_ =	shalt  }
0x65: {  	_ =	shalt  }
0x66: {  	_ =	shalt  }
0x67: {  	_ =	shalt  }
0x68: {  	_ =	shalt  }
0x69: {  	_ =	shalt  }
0x6a: {  	_ =	shalt  }
0x6b: {  	_ =	shalt  }
0x6c: {  	_ =	shalt  }
0x6d: {  	_ =	shalt  }
0x6e: {  	_ =	shalt  }
0x6f: {  	_ =	shalt  }
0x70: {  	_ =	shalt  }
0x71: {  	_ =	shalt  }
0x72: {  	_ =	shalt  }
0x73: {  	_ =	shalt  }
0x74: {  	_ =	shalt  }
0x75: {  	_ =	shalt  }
0x76: {  	_ =	shalt  }
0x77: {  	_ =	shalt  }
0x78: {  	_ =	shalt  }
0x79: {  	_ =	shalt  }
0x7a: {  	_ =	shalt  }
0x7b: {  	_ =	shalt  }
0x7c: {  	_ =	shalt  }
0x7d: {  	_ =	shalt  }
0x7e: {  	_ =	shalt  }
0x7f: {  	_ =	shalt  }
0x80: {  	_ =	shalt  }
0x81: {  	_ =	shalt  }
0x82: {  	_ =	shalt  }
0x83: {  	_ =	shalt  }
0x84: {  	_ =	shalt  }
0x85: {  	_ =	shalt  }
0x86: {  	_ =	shalt  }
0x87: {  	_ =	shalt  }
.Lfunc_end0:
.L_simem_size_0:
called_computation.2_lowered:
.L_overlay_start_0:
0x88: {  	s2 =	sld [smem:$0x3FD9]  }
0x89: {  	s3 =	sld [smem:$0x3FFE];
	_ =	sdelay $0x1  }
0x8a: {  	s1 =	srdreg.scid  }
0x8b: {  	s0 =	sand.u32 $0x1, s1  }
0x8c: {  	s17 =	sshll.u32 s0, $0xA;
	s2 =	sadd.s32 s3, s2  }
0x8d: {  	s2 =	sadd.s32 s2, s17  }
0x8e: {  	[smem:$0x3FC0] =	sst s2  }
0x8f: {  	_ = 	snop  }
0x90: {  	s2 =	sld [smem:$0x3FD0];
	(tm) =	ssettm $0x1  }
0x91: {  	s18 =	sld [smem:$0x3FFB];
	_ =	sdelay $0x3  }
0x92: {  	_ =	strace s18  }
0x93: {  	s3 =	sld [smem:$0x3FFC];
	_ =	sdelay $0x3  }
0x94: {  	_ =	strace s3  }
0x95: {  	s3 =	sld [smem:$0x3FFD];
	_ =	sdelay $0x3  }
0x96: {  	_ =	strace s3  }
0x97: {  	_ =	strace $0x8FFFFFFF  }
0x98: {  	s19 =	sld [smem:$0x3FDB];
	_ =	sdelay $0x1  }
0x99: {  	s4 =	simm.s32 $_scs_section_size  }
0x9a: {  	s5 =	simm.s32 $_size__tile_overlayer_lowered;
	s6 =	simm.s32 $_tile_overlayer_lowered  }
0x9b: {  	s22 =	simm.s32 $0x1BFF;
	s21 =	sshll.u32 s6, $0x1;
	s3 =	sadd.s32 s4, s19  }
0x9c: {  	s7 =	simm.s32 $0x0;
	s20 =	sshll.u32 s5, $0x1;
	s5 =	sadd.s32 s21, s3  }
0x9d: {  	[timem:s7], [sflag:s22] =	dma.local [hbm:s5], s20  }
0x9e: {  	_ =	swait.ge [sflag:s22], s20  }
0x9f: {  	s4 =	ssub.s32 $0x0, s20;
	[sflag:s22] =	ssyncset.done $0x0  }
0xa0: {  	[sflag:s22] =	ssyncadd.s32 s4;
	_ =	sdelay $0x1  }
0xa1: {  	s23 =	simm.s32 $0x1B8B  }
0xa2: {  	_ =	swait.ge [sflag:s23], $0x1  }
0xa3: {  	[sflag:s23] =	ssyncset.done $0x0  }
0xa4: {  	s25 =	simm.s32 $0x1B8E;
	s24 =	sld [smem:$0x3FFE];
	[sflag:s23] =	ssyncadd.s32 $0xFFFFFFFF  }
0xa5: {  	s26 =	simm.s32 $execute0_lowered;
	[smem:$0x3FD2] =	sst s25  }
0xa6: {  	s5 =	sshll.u32 s26, $0x1;
	_ =	strace $0x8000004C;
	[dreg:$0x1] =	wrdreg $0xFFFFFFFF  }
0xa7: {  	s28 =	simm.s32 $_size_execute0_lowered;
	s3 =	sadd.s32 s3, s5;
	[dreg:$0x0] =	wrdreg $0x0  }
0xa8: {  	s5 =	sshll.u32 s28, $0x1;
	[dreg:$0x2] =	wrdreg s3  }
0xa9: {  	[dreg:$0x3] =	wrdreg s5  }
0xaa: {  	[dreg:$0x4] =	wrdreg $0xC0  }
0xab: {  	_ =	task [dreg:s7], $0x5FFFF  }
0xac: {  	[dreg:$0x1] =	wrdreg $0xFFFFFFFF  }
0xad: {  	[dreg:$0x0] =	wrdreg $0x60  }
0xae: {  	[dreg:$0x2] =	wrdreg s2  }
0xaf: {  	[dreg:$0x3] =	wrdreg s24  }
0xb0: {  	[dreg:$0x4] =	wrdreg $0x0  }
0xb1: {  	[dreg:$0x5] =	wrdreg $0x9  }
0xb2: {  	_ =	task.clear_ibuf [dreg:s7], $0x6FFFF;
	_ =	strace $0x9000004C  }
0xb3: {  	s29 =	simm.s32 $0x9;
	_ =	strace $0x8000004E  }
0xb4: {  	_ =	swait.ge [sflag:s29], $0x1  }
0xb5: {  	[sflag:s29] =	ssyncadd.s32 $0xFFFFFFFF  }
0xb6: {  	_ =	strace $0x9000004E  }
0xb7: {  	_ =	sfence  }
0xb8: {  	s30 =	sld [smem:$0x0];
	_ =	sdelay $0x2  }
0xb9: {  	s31 =	sshll.u32 s1, $0xD;
	s1 =	sshrl.u32 s1, $0x2  }
0xba: {  	s3 =	sand.u32 $0x4000, s31;
	s1 =	sadd.s32 s1, s30  }
0xbb: {  	s0 =	sor.u32 s3, s0;
	s1 =	sshll.u32 s1, $0x11  }
0xbc: {  	s0 =	sor.u32 s1, s0  }
0xbd: {  	s0 =	sadd.s32 $0x8F2B, s0  }
0xbe: {  	[sflag:s0] =	ssyncadd.remote.s32 $0x1  }
0xbf: {  	_ =	sfence.sel $0xFFFF  }
0xc0: {  	[dreg:$0x0] =	wrdreg $0xFFFFFFFF;
	(pc) =	sbr.abs _section_cstart, $3  }
0xc1: {  	[dreg:$0x1] =	wrdreg $0xFFFFFFFF  }
0xc2: {  	_ =	task.clear_ibuf [dreg:s7], $0x2FFFF;
	_ =	strace $0x9FFFFFFF  }
0xc3: {  	(tm) =	ssettm $0x7FFFFFFF  }
tec
execute0_lowered:
.L_overlay_start_1:
0x0: {  	(tag) =	ssettag $0x1  }
0x1: {  	s0 =	rddreg [dreg:$0x0]  }
0x2: {  	s1 =	rddreg [dreg:$0x1]  }
0x3: {  	s2 =	srdreg.scid;
	s3 =	rddreg [dreg:$0x2]  }
0x4: {  	s12 =	stileid.u32;
	s4 =	simm.s32 $0x0;
	s15 =	simm.s32 $0x3  }
0x5: {  	s17 =	simm.s32 $0x40;
	s18 =	simm.s32 $0x15C00;
	s19 =	simm.s32 $0x1  }
0x6: {  	s20 =	simm.s32 $0x17C00;
	s21 =	simm.s32 $0x19C00;
	s22 =	simm.s32 $0x1BC00  }
0x7: {  	s23 =	simm.s32 $0x2;
	s24 =	simm.s32 $0x0;
	s7 =	smul.u32 $0x13C00, s12  }
0x8: {  	s2 =	sand.u32 $0x1, s2;
	[smem:$0x7FF] =	sst s4;
	s10 =	smul.u32 $0x4F000, s12  }
0x9: {  	s5 =	sadd.s32 $0x2400, s1;
	s6 =	smul.u32 $0x13C000, s2;
	s9 =	ssub.s32 $0x2, s2  }
0xa: {  	_ =	strace $0x8000004D;
	s2 =	sshll.u32 s2, $0x4;
	s11 =	sshrl.u32 s9, $0x1  }
0xb: {  	s2 =	sor.u32 s12, s2;
	s10 =	sshrl.u32 s10, $0x2;
	s12 =	sshll.u32 s12, $0x6  }
.Ltmp0:
0xc: {  	s8 =	sadd.s32 s7, s6;
	s6 =	sadd.s32 $0x16400, s1;
	(pc) =	sbr.rel .LBB2_1-.Ltmp0, $4  }
0xd: {  	s7 =	sadd.s32 $0x2A400, s1;
	s31 =	ssub.s32 s9, s11;
	s8 =	sshrl.u32 s8, $0x3  }
0xe: {  	s14 =	sadd.s32 s10, s3;
	s1 =	sadd.s32 s8, s1;
	s8 =	smul.u32 $0xA00, s2  }
0xf: {  	s9 =	sor.u32 $0x1C03, s12;
	s13 =	smax.u32 s31, $0x1;
	s14 =	sshrl.u32 s14, $0x3  }
0x10: {  	s12 =	sadd.s32 $0x2CC00, s1;
	s10 =	sadd.s32 s5, s8;
	s11 =	sadd.s32 s6, s8  }
.LBB2_6:
0x11: {  	s24 =	sadd.s32 $0x1, s24  }
0x12: {  	p0 =	sne.s32 s24, s13  }
.Ltmp1:
0x13: {  	[bflag:$0x0] =	sbarrier.arrive $0xFFFF;
	(pc) =	sbr.rel @!p0 .LBB2_7-.Ltmp1, $4  }
0x14: {  	[hbm:s12], [sflag:s9] =	dma.local [spmem:s14], $0x2780  }
0x15: {  	_ =	swait.ge [sflag:s15], $0x2780  }
0x16: {  	[sflag:s15] =	ssyncset.done $0x0  }
0x17: {  	[sflag:s15] =	ssyncadd.s32 $0xFFFFD880  }
.LBB2_1:
0x18: {  	[spmem:s14], [sflag:s9] =	dma.local [hbm:s7], $0x2780  }
0x19: {  	_ =	swait.ge [sflag:s15], $0x2780  }
0x1a: {  	[sflag:s15] =	ssyncset.done $0x0  }
0x1b: {  	s26 =	simm.s32 $0x13C00;
	[sflag:s15] =	ssyncadd.s32 $0xFFFFD880  }
0x1c: {  	[tilespmem:s26], [sflag:$0x3] =	stream.linear.gather [hbm4b:s10+s4], $0x800, $0x38;
	[tilespmem:$0x1DC00] =	vst v63  }
0x1d: {  	_ =	swait.ge [sflag:s15], $0x800  }
0x1e: {  	[sflag:s15] =	ssyncset.done $0x0  }
0x1f: {  	s1 =	simm.s32 $0x14C00;
	[sflag:s15] =	ssyncadd.s32 $0xFFFFF800  }
0x20: {  	[tilespmem:s1], [sflag:$0x3] =	stream.linear.gather [hbm4b:s11+s4], $0x800, $0x38;
	[tilespmem:$0x1DC00] =	vst v63  }
0x21: {  	_ =	swait.ge [sflag:s15], $0x800  }
0x22: {  	[sflag:s15] =	ssyncset.done $0x0  }
0x23: {  	[sflag:s15] =	ssyncadd.s32 $0xFFFFF800  }
0x24: {  	p0 =	por $0x0, $0x0;
	s25 =	simm.s32 $0x0;
	[bflag:$0x0] =	sbarrier.arrive $0xFFFF  }
0x25: {  	[tilespmem:s18], [sflag:$0x1] =	stream.indirect.gather [hbm4b:s0+s17], $0x80, s26, s17, $0xb8;
	[tilespmem:$0x1DC00] =	vst v63  }
.LBB2_2:
0x26: {  	s1 =	sadd.s32 $0x80, s26  }
0x27: {  	[tilespmem:s20], [sflag:$0x1] =	stream.indirect.gather [hbm4b:s0+s17], $0x80, s1, s17, $0xb8;
	[tilespmem:$0x1DC00] =	vst v63  }
0x28: {  	s2 =	sadd.s32 $0x100, s26;
	s1 =	simm.s32 $0x1  }
0x29: {  	[tilespmem:s21], [sflag:$0x1] =	stream.indirect.gather [hbm4b:s0+s17], $0x80, s2, s17, $0xb8;
	[tilespmem:$0x1DC00] =	vst v63  }
0x2a: {  	s16 =	sshll.u32 s25, $0xB;
	_ =	swait.ge [sflag:s1], $0x2000  }
0x2b: {  	s28 =	sand.u32 $0x800, s16;
	s2 =	simm.s32 $0x1;
	[sflag:s1] =	ssyncset.done $0x0  }
0x2c: {  	s26 =	sadd.s32 $0x14C00, s28;
	s2 =	simm.s32 @!p0 $0x0;
	[sflag:s1] =	ssyncadd.s32 $0xFFFFE000  }
0x2d: {  	[spmem:s3] =	stream.indirect.scatter.add.f32 [tilespmem:s18], [sflag:$0x2], $0x80, s26, s17, $0xb8;
	[tilespmem:$0x1DC00] =	vst v63  }
0x2e: {  	s30 =	simm.s32 $0x20000;
	s16 =	sadd.s32 $0x13D80, s28;
	s2 =	sshll.u32 s2, $0xB  }
0x2f: {  	[tilespmem:s22], [sflag:$0x1] =	stream.indirect.gather [hbm4b:s0+s17], $0x80, s16, s17, $0xb8;
	[tilespmem:$0x1DC00] =	vst v63  }
0x30: {  	p1 =	por $0x0, $0x0;
	s1 =	sadd.s32 $0x14C80, s2;
	s16 =	simm.s32 $0x8000  }
0x31: {  	s26 =	sadd.s32 $0x13E00, s2;
	_ =	swait.ge [sflag:s19], $0x2000;
	s2 =	sand.u32 $0x18000, s16  }
0x32: {  	s31 =	simm.s32 $0x2;
	[sflag:s19] =	ssyncset.done $0x0;
	s2 =	sshrl.u32 s2, $0x2  }
0x33: {  	s28 =	simm.s32 $0x28000;
	[sflag:s19] =	ssyncadd.s32 $0xFFFFE000;
	s2 =	sadd.s32 $0x15C00, s2  }
0x34: {  	[spmem:s3] =	stream.indirect.scatter.add.f32 [tilespmem:s2], [sflag:$0x2], $0x80, s1, s17, $0xb8;
	[tilespmem:$0x1DC00] =	vst v63  }
0x35: {  	s29 =	sadd.s32 $0x80, s1;
	s1 =	sand.u32 @!p1 $0x18000, s30;
	_ =	swait.ge [sflag:s23], $0x2000  }
0x36: {  	s30 =	sadd.s32 $0x80, s26;
	s1 =	sshrl.u32 @!p1 s1, $0x2;
	[sflag:s23] =	ssyncset.done $0x0  }
0x37: {  	s2 =	simm.s32 @!p1 $0x40;
	s1 =	sadd.s32 @!p1 $0x15C00, s1;
	[sflag:s23] =	ssyncadd.s32 $0xFFFFE000  }
.LBB2_3:
0x38: {  	[tilespmem:s1], [sflag:$0x1] =	stream.indirect.gather @!p1 [hbm4b:s0+s2], $0x80, s26, s2, $0xb8;
	[tilespmem:$0x1DC00] =	vst v63  }
0x39: {  	s1 =	smov.u32 s28;
	s2 =	smov.u32 s29;
	s26 =	smov.u32 s30  }
0x3a: {  	s28 =	sadd.s32 $0x8000, s28;
	s16 =	sadd.s32 $0xFFFE8000, s1;
	_ =	swait.ge [sflag:s19], $0x2000  }
0x3b: {  	p2 =	sne.s32 s28, $0x98000;
	s16 =	sand.u32 $0x18000, s16;
	[sflag:s19] =	ssyncset.done $0x0  }
0x3c: {  	s29 =	sadd.s32 $0x80, s29;
	s16 =	sshrl.u32 s16, $0x2;
	[sflag:s19] =	ssyncadd.s32 $0xFFFFE000  }
.Ltmp2:
0x3d: {  	p1 =	sgt.u32 s31, $0xC;
	s16 =	sadd.s32 $0x15C00, s16;
	(pc) =	sbr.rel @p2 .LBB2_3-.Ltmp2, $4  }
0x3e: {  	[spmem:s3] =	stream.indirect.scatter.add.f32 [tilespmem:s16], [sflag:$0x2], $0x80, s2, s17, $0xb8;
	[tilespmem:$0x1DC00] =	vst v63  }
0x3f: {  	s30 =	sadd.s32 $0x80, s30;
	s1 =	sand.u32 @!p1 $0x18000, s1;
	_ =	swait.ge [sflag:s23], $0x2000  }
0x40: {  	s31 =	sadd.s32 $0x1, s31;
	s1 =	sshrl.u32 @!p1 s1, $0x2;
	[sflag:s23] =	ssyncset.done $0x0  }
0x41: {  	s1 =	sadd.s32 @!p1 $0x15C00, s1;
	s2 =	simm.s32 @!p1 $0x40;
	[sflag:s23] =	ssyncadd.s32 $0xFFFFE000  }
0x42: {  	[tilespmem:s1], [sflag:$0x1] =	stream.indirect.gather @!p1 [hbm4b:s0+s2], $0x80, s26, s2, $0xb8;
	[tilespmem:$0x1DC00] =	vst v63  }
0x43: {  	p1 =	seq.s32 s25, $0x9  }
.Ltmp3:
0x44: {  	_ = 	snop;
	(pc) =	sbr.rel @p1 .LBB2_6-.Ltmp3, $4  }
0x45: {  	_ = 	snop  }
0x46: {  	_ =	swait.ge [sflag:s23], $0x2000  }
0x47: {  	[sflag:s23] =	ssyncset.done $0x0  }
0x48: {  	[sflag:s23] =	ssyncadd.s32 $0xFFFFE000  }
0x49: {  	s25 =	sadd.s32 $0x1, s25  }
0x4a: {  	s1 =	sshll.u32 s25, $0xB;
	s2 =	sshll.u32 s25, $0x8  }
0x4b: {  	s1 =	sand.u32 $0x800, s1;
	s2 =	sadd.s32 s8, s2  }
0x4c: {  	s26 =	sadd.s32 $0x13C00, s1;
	s16 =	sadd.s32 s5, s2  }
0x4d: {  	[tilespmem:s26], [sflag:$0x3] =	stream.linear.gather [hbm4b:s16+s4], $0x800, $0x38;
	[tilespmem:$0x1DC00] =	vst v63  }
0x4e: {  	_ =	swait.ge [sflag:s15], $0x800  }
0x4f: {  	[sflag:s15] =	ssyncset.done $0x0  }
0x50: {  	s1 =	sadd.s32 $0x14C00, s1;
	s2 =	sadd.s32 s6, s2;
	[sflag:s15] =	ssyncadd.s32 $0xFFFFF800  }
0x51: {  	[tilespmem:s1], [sflag:$0x3] =	stream.linear.gather [hbm4b:s2+s4], $0x800, $0x38;
	[tilespmem:$0x1DC00] =	vst v63  }
.Ltmp4:
0x52: {  	_ = 	snop;
	(pc) =	sbr.rel .LBB2_2-.Ltmp4, $4  }
0x53: {  	_ =	swait.ge [sflag:s15], $0x800  }
0x54: {  	[sflag:s15] =	ssyncset.done $0x0  }
0x55: {  	p0 =	por !p0, !p0;
	[sflag:s15] =	ssyncadd.s32 $0xFFFFF800  }
0x56: {  	[tilespmem:s18], [sflag:$0x1] =	stream.indirect.gather [hbm4b:s0+s17], $0x80, s26, s17, $0xb8;
	[tilespmem:$0x1DC00] =	vst v63  }
.LBB2_7:
0x57: {  	_ =	sfence.sel $0x180000  }
0x58: {  	[bflag:$0x0] =	sbarrier.arrive $0xFFFF  }
0x59: {  	_ =	strace $0x9000004D  }
0x5a: {  	s0 =	stileid.u32;
	[bflag:$0x2] =	sbarrier.arrive $0xFFFF  }
0x5b: {  	p0 =	sne.s32 s0, $0x0;
	s0 =	rddreg [dreg:$0x3]  }
0x5c: {  	s0 =	sadd.s32 @!p0 $0x100000, s0  }
0x5d: {  	[sflag:s0] =	ssyncadd.tile.s32 @!p0 $0x1;
	_ =	shalt  }
.Lfunc_end2:
_tile_overlayer_lowered:
.L_overlay_start_2:
0x5e: {  	(tag) =	ssettag $0x2  }
0x5f: {  	s0 =	rddreg [dreg:$0x0];
	s2 =	stileid.u32  }
0x60: {  	s1 =	rddreg [dreg:$0x1];
	p0 =	sne.s32 s2, $0x0  }
0x61: {  	s3 =	rddreg [dreg:$0x2];
	[bflag:$0x3] =	sbarrier.arrive $0xFFFF;
	s2 =	simm.s32 @!p0 $0x1C03  }
0x62: {  	[timem:s3], [sflag:s2] =	dma.local @!p0 [hbm:s0], s1  }
0x63: {  	s0 =	simm.s32 @!p0 $0x3  }
0x64: {  	_ =	swait.ge @!p0 [sflag:s0], s1  }
0x65: {  	s1 =	ssub.s32 @!p0 $0x0, s1;
	[sflag:s0] =	ssyncset.done @!p0 $0x0  }
0x66: {  	[sflag:s0] =	ssyncadd.s32 @!p0 s1  }
0x67: {  	[bflag:$0x3] =	sbarrier.arrive $0xFFFF  }
0x68: {  	_ =	shalt  }

// kernel: kernel.7.cloned.1.call-start
scs
__scs_entry_jumppad:
0x0: {  	(pc) =	sbr.rel $0x88, $3  }
0x1: {  	(tag) =	ssettag $0x0;
	lr =	simm.s32 $0x1  }
0x2: {  	[smem:$0x3F99] =	sst lr;
	_ =	strace $0xD0000000  }
0x3: {  	_ = 	snop  }
0x4: {  	_ = 	snop  }
0x5: {  	_ = 	snop  }
0x6: {  	_ = 	snop  }
0x7: {  	_ = 	snop  }
__scs_overlays_trampoline_lowered:
0x8: {  	[smem:$0x3FA8] =	sst s0  }
0x9: {  	[smem:$0x3FA9] =	sst s1  }
0xa: {  	[smem:$0x3FAA] =	sst s2  }
0xb: {  	[smem:$0x3FAB] =	sst s3  }
0xc: {  	[smem:$0x3FAC] =	sst s4  }
0xd: {  	[smem:$0x3FAD] =	sst s5  }
0xe: {  	[smem:$0x3FAE] =	sst s6  }
0xf: {  	[smem:$0x3FAF] =	sst s7  }
0x10: {  	[smem:$0x3FB0] =	sst s8  }
0x11: {  	[smem:$0x3FB1] =	sst s9;
	s0 =	simm.s32 @!p0 $0x0  }
0x12: {  	s1 =	sld [smem:$0x3F97];
	s0 =	simm.s32 @p0 $0x1  }
0x13: {  	[smem:$0x3FB2] =	sst s0;
	s0 =	simm.s32 @!p1 $0x0  }
0x14: {  	s2 =	sld [smem:$0x3F96];
	s0 =	simm.s32 @p1 $0x1  }
0x15: {  	[smem:$0x3FB3] =	sst s0;
	s0 =	simm.s32 @!p2 $0x0  }
0x16: {  	s3 =	sld [smem:$0x3FDB];
	s0 =	simm.s32 @p2 $0x1  }
0x17: {  	s4 =	simm.s32 $0x1BF5;
	[smem:$0x3FB5] =	sst s0  }
0x18: {  	s0 =	sld [smem:$0x3F98];
	_ =	swait.ge [sflag:s4], $0x0  }
0x19: {  	s7 =	sld [smem:$0x3F99]  }
0x1a: {  	s8 =	sadd.s32 $0xFFFFE003, lr  }
0x1b: {  	s9 =	sadd.s32 $0xFFFFFEF7, lr;
	s5 =	simm.s32 $0xFFFFFFFF;
	p2 =	slt.u32 s8, $0xFFFFF086  }
0x1c: {  	p1 =	slt.u32 s9, $0xF7A;
	s5 =	simm.s32 @!p2 $0x0  }
0x1d: {  	s5 =	simm.s32 @p1 $0x1;
	p0 =	seq.s32 s7, s2  }
0x1e: {  	s7 =	smul.u32 @!p0 $0xF7A, s2;
	p2 =	seq.s32 @!p0 s5, $0x0  }
0x1f: {  	s9 =	smul.u32 $0xF7A, s1;
	s8 =	simm.s32 @!p0 $0x1BF5;
	p2 =	por !p2, p0  }
0x20: {  	[sflag:s8] =	ssyncset.s32 @!p0 $0xFFFFF086;
	s6 =	sadd.s32 @!p0 s3, s7;
	s7 =	simm.s32 @!p0 $0x108  }
0x21: {  	s3 =	sadd.s32 s3, s9;
	s6 =	sadd.s32 @!p0 $0x88, s6;
	s7 =	simm.s32 @p2 $0x1082  }
0x22: {  	[simem:s7], [sflag:s8] =	dma.local @!p0 [hbm:s6], $0xF7A  }
0x23: {  	s9 =	sor.u32 $0xD0000000, s2;
	s6 =	simm.s32 $0x108;
	_ =	swait.ge @!p0 [sflag:s8], $0x0  }
0x24: {  	s3 =	sadd.s32 $0x88, s3;
	s6 =	simm.s32 @!p1 $0x1082;
	[sflag:s4] =	ssyncset.s32 $0xFFFFF086  }
0x25: {  	[simem:s6], [sflag:s4] =	dma.local [hbm:s3], $0xF7A  }
0x26: {  	[smem:$0x3F99] =	sst s1;
	(tag) =	ssettag s2;
	_ =	strace s9  }
0x27: {  	s1 =	sld [smem:$0x3FA9]  }
0x28: {  	s2 =	sld [smem:$0x3FAA]  }
0x29: {  	s4 =	sld [smem:$0x3FAC]  }
0x2a: {  	p0 =	seq.s32 s5, $0x0;
	s5 =	sld [smem:$0x3FAD]  }
0x2b: {  	s6 =	sld [smem:$0x3FAE]  }
0x2c: {  	s7 =	sld [smem:$0x3FAF]  }
0x2d: {  	s3 =	simm.s32 $0x108;
	s8 =	sld [smem:$0x3FB0]  }
0x2e: {  	s3 =	simm.s32 @!p0 $0x1082;
	s9 =	sld [smem:$0x3FB1]  }
0x2f: {  	lr =	sadd.s32 s0, s3;
	s0 =	sld [smem:$0x3FA8]  }
0x30: {  	s3 =	sld [smem:$0x3FAB]  }
0x31: {  	[smem:$0x3FB4] =	sst s10  }
0x32: {  	s10 =	sld [smem:$0x3FB2];
	_ =	sdelay $0x3  }
0x33: {  	p0 =	seq.s32 s10, $0x1;
	s10 =	sld [smem:$0x3FB4];
	_ =	sdelay $0x3  }
0x34: {  	[smem:$0x3FB4] =	sst s10  }
0x35: {  	s10 =	sld [smem:$0x3FB3];
	_ =	sdelay $0x3  }
0x36: {  	p1 =	seq.s32 s10, $0x1;
	s10 =	sld [smem:$0x3FB4];
	_ =	sdelay $0x3  }
0x37: {  	[smem:$0x3FB4] =	sst s10  }
0x38: {  	s10 =	sld [smem:$0x3FB5]  }
0x39: {  	_ = 	snop;
	(pc) =	sbr.ind lr, $3  }
0x3a: {  	_ = 	snop  }
0x3b: {  	_ = 	snop  }
0x3c: {  	p2 =	seq.s32 s10, $0x1;
	s10 =	sld [smem:$0x3FB4]  }
0x3d: {  	_ =	shalt  }
0x3e: {  	_ =	shalt  }
0x3f: {  	_ =	shalt  }
0x40: {  	_ =	shalt  }
0x41: {  	_ =	shalt  }
0x42: {  	_ =	shalt  }
0x43: {  	_ =	shalt  }
0x44: {  	_ =	shalt  }
0x45: {  	_ =	shalt  }
0x46: {  	_ =	shalt  }
0x47: {  	_ =	shalt  }
0x48: {  	_ =	shalt  }
0x49: {  	_ =	shalt  }
0x4a: {  	_ =	shalt  }
0x4b: {  	_ =	shalt  }
0x4c: {  	_ =	shalt  }
0x4d: {  	_ =	shalt  }
0x4e: {  	_ =	shalt  }
0x4f: {  	_ =	shalt  }
0x50: {  	_ =	shalt  }
0x51: {  	_ =	shalt  }
0x52: {  	_ =	shalt  }
0x53: {  	_ =	shalt  }
0x54: {  	_ =	shalt  }
0x55: {  	_ =	shalt  }
0x56: {  	_ =	shalt  }
0x57: {  	_ =	shalt  }
0x58: {  	_ =	shalt  }
0x59: {  	_ =	shalt  }
0x5a: {  	_ =	shalt  }
0x5b: {  	_ =	shalt  }
0x5c: {  	_ =	shalt  }
0x5d: {  	_ =	shalt  }
0x5e: {  	_ =	shalt  }
0x5f: {  	_ =	shalt  }
0x60: {  	_ =	shalt  }
0x61: {  	_ =	shalt  }
0x62: {  	_ =	shalt  }
0x63: {  	_ =	shalt  }
0x64: {  	_ =	shalt  }
0x65: {  	_ =	shalt  }
0x66: {  	_ =	shalt  }
0x67: {  	_ =	shalt  }
0x68: {  	_ =	shalt  }
0x69: {  	_ =	shalt  }
0x6a: {  	_ =	shalt  }
0x6b: {  	_ =	shalt  }
0x6c: {  	_ =	shalt  }
0x6d: {  	_ =	shalt  }
0x6e: {  	_ =	shalt  }
0x6f: {  	_ =	shalt  }
0x70: {  	_ =	shalt  }
0x71: {  	_ =	shalt  }
0x72: {  	_ =	shalt  }
0x73: {  	_ =	shalt  }
0x74: {  	_ =	shalt  }
0x75: {  	_ =	shalt  }
0x76: {  	_ =	shalt  }
0x77: {  	_ =	shalt  }
0x78: {  	_ =	shalt  }
0x79: {  	_ =	shalt  }
0x7a: {  	_ =	shalt  }
0x7b: {  	_ =	shalt  }
0x7c: {  	_ =	shalt  }
0x7d: {  	_ =	shalt  }
0x7e: {  	_ =	shalt  }
0x7f: {  	_ =	shalt  }
0x80: {  	_ =	shalt  }
0x81: {  	_ =	shalt  }
0x82: {  	_ =	shalt  }
0x83: {  	_ =	shalt  }
0x84: {  	_ =	shalt  }
0x85: {  	_ =	shalt  }
0x86: {  	_ =	shalt  }
0x87: {  	_ =	shalt  }
.Lfunc_end0:
.L_simem_size_0:
called_computation_lowered:
.L_overlay_start_0:
0x88: {  	s2 =	sld [smem:$0x3FD9]  }
0x89: {  	s3 =	sld [smem:$0x3FFE];
	_ =	sdelay $0x1  }
0x8a: {  	s1 =	srdreg.scid  }
0x8b: {  	s0 =	sand.u32 $0x1, s1  }
0x8c: {  	s17 =	sshll.u32 s0, $0xA;
	s2 =	sadd.s32 s3, s2  }
0x8d: {  	s2 =	sadd.s32 s2, s17  }
0x8e: {  	[smem:$0x3FC0] =	sst s2  }
0x8f: {  	_ = 	snop  }
0x90: {  	s18 =	sld [smem:$0x3FD0];
	(tm) =	ssettm $0x1  }
0x91: {  	s19 =	sld [smem:$0x3FFB];
	_ =	sdelay $0x3  }
0x92: {  	_ =	strace s19  }
0x93: {  	s2 =	sld [smem:$0x3FFC];
	_ =	sdelay $0x3  }
0x94: {  	_ =	strace s2  }
0x95: {  	s2 =	sld [smem:$0x3FFD];
	_ =	sdelay $0x3  }
0x96: {  	_ =	strace s2  }
0x97: {  	_ =	strace $0x8FFFFFFF  }
0x98: {  	s20 =	sld [smem:$0x3FDB];
	_ =	sdelay $0x1  }
0x99: {  	s4 =	simm.s32 $_scs_section_size  }
0x9a: {  	s5 =	simm.s32 $_size__tile_overlayer_lowered;
	s6 =	simm.s32 $_tile_overlayer_lowered  }
0x9b: {  	s7 =	simm.s32 $0x1BFF;
	s21 =	sshll.u32 s6, $0x1;
	s4 =	sadd.s32 s4, s20  }
0x9c: {  	s22 =	simm.s32 $0x0;
	s5 =	sshll.u32 s5, $0x1;
	s6 =	sadd.s32 s21, s4  }
0x9d: {  	[timem:s22], [sflag:s7] =	dma.local [hbm:s6], s5  }
0x9e: {  	_ =	swait.ge [sflag:s7], s5  }
0x9f: {  	s5 =	ssub.s32 $0x0, s5;
	[sflag:s7] =	ssyncset.done $0x0  }
0xa0: {  	[sflag:s7] =	ssyncadd.s32 s5;
	_ =	sdelay $0x1  }
0xa1: {  	s23 =	simm.s32 $0x1B8B  }
0xa2: {  	_ =	swait.ge [sflag:s23], $0x1  }
0xa3: {  	[sflag:s23] =	ssyncset.done $0x0  }
0xa4: {  	[sflag:s23] =	ssyncadd.s32 $0xFFFFFFFF  }
0xa5: {  	s5 =	sld [smem:$0x0]  }
0xa6: {  	s6 =	sand.u32 $0xFFFFFFFE, s1  }
0xa7: {  	p0 =	sne.s32 s1, s6  }
0xa8: {  	s6 =	sshll.u32 @p0 s6, $0xE  }
0xa9: {  	s6 =	sadd.s32 @p0 $0x11B8D, s6;
	s7 =	sshll.u32 @p0 s5, $0x11  }
0xaa: {  	s6 =	sor.u32 @p0 s7, s6  }
0xab: {  	[sflag:s6] =	ssyncadd.remote.s32 @p0 $0x1;
	_ =	sdelay $0x1  }
0xac: {  	s6 =	simm.s32 @p0 $0x1B8D  }
0xad: {  	_ =	swait.eq @p0 [sflag:s6], $0x1  }
0xae: {  	[sflag:s6] =	ssyncadd.s32 @p0 $0xFFFFFFFF  }
0xaf: {  	s7 =	sshll.u32 @!p0 s1, $0xE  }
0xb0: {  	s7 =	sor.u32 @!p0 $0x4000, s7;
	s6 =	simm.s32 @!p0 $0x1B8D  }
0xb1: {  	s5 =	sshll.u32 @!p0 s5, $0x11;
	s7 =	sadd.s32 @!p0 $0x11B8D, s7;
	_ =	swait.eq @!p0 [sflag:s6], $0x1  }
0xb2: {  	s5 =	sor.u32 @!p0 s5, s7;
	[sflag:s6] =	ssyncadd.s32 @!p0 $0xFFFFFFFF  }
0xb3: {  	s25 =	simm.s32 $0x1B8E;
	s24 =	sld [smem:$0x3FFE];
	[sflag:s5] =	ssyncadd.remote.s32 @!p0 $0x1  }
0xb4: {  	s26 =	simm.s32 $execute0_lowered;
	[smem:$0x3FD2] =	sst s25  }
0xb5: {  	s6 =	sshll.u32 s26, $0x1;
	_ =	strace $0x80000049;
	[dreg:$0x1] =	wrdreg $0xFFFFFFFF  }
0xb6: {  	s28 =	simm.s32 $_size_execute0_lowered;
	s4 =	sadd.s32 s4, s6;
	[dreg:$0x0] =	wrdreg $0x0  }
0xb7: {  	s6 =	sshll.u32 s28, $0x1;
	[dreg:$0x2] =	wrdreg s4  }
0xb8: {  	[dreg:$0x3] =	wrdreg s6  }
0xb9: {  	[dreg:$0x4] =	wrdreg $0xC0  }
0xba: {  	_ =	task [dreg:s22], $0x5FFFF  }
0xbb: {  	[dreg:$0x1] =	wrdreg $0xFFFFFFFF  }
0xbc: {  	[dreg:$0x0] =	wrdreg $0x60  }
0xbd: {  	[dreg:$0x2] =	wrdreg s18  }
0xbe: {  	[dreg:$0x3] =	wrdreg s24  }
0xbf: {  	[dreg:$0x4] =	wrdreg $0x0  }
0xc0: {  	[dreg:$0x5] =	wrdreg $0x9  }
0xc1: {  	_ =	task.clear_ibuf [dreg:s22], $0x6FFFF;
	_ =	strace $0x90000049  }
0xc2: {  	s29 =	simm.s32 $0x9;
	_ =	strace $0x8000004B  }
0xc3: {  	_ =	swait.ge [sflag:s29], $0x1  }
0xc4: {  	[sflag:s29] =	ssyncadd.s32 $0xFFFFFFFF  }
0xc5: {  	_ =	strace $0x9000004B  }
0xc6: {  	_ =	sfence  }
0xc7: {  	s30 =	sld [smem:$0x0];
	_ =	sdelay $0x2  }
0xc8: {  	s31 =	sshll.u32 s1, $0xD;
	s1 =	sshrl.u32 s1, $0x2  }
0xc9: {  	s4 =	sand.u32 $0x4000, s31;
	s1 =	sadd.s32 s1, s30  }
0xca: {  	s0 =	sor.u32 s4, s0;
	s1 =	sshll.u32 s1, $0x11  }
0xcb: {  	s0 =	sor.u32 s1, s0  }
0xcc: {  	s0 =	sadd.s32 $0x8F2B, s0  }
0xcd: {  	[sflag:s0] =	ssyncadd.remote.s32 $0x1  }
0xce: {  	_ =	sfence.sel $0xFFFF  }
0xcf: {  	[dreg:$0x0] =	wrdreg $0xFFFFFFFF;
	(pc) =	sbr.abs _section_cstart, $3  }
0xd0: {  	[dreg:$0x1] =	wrdreg $0xFFFFFFFF  }
0xd1: {  	_ =	task.clear_ibuf [dreg:s22], $0x2FFFF;
	_ =	strace $0x9FFFFFFF  }
0xd2: {  	(tm) =	ssettm $0x7FFFFFFF  }
0xd3: {  	_ =	shalt  }
tec
execute0_lowered:
.L_overlay_start_1:
0x0: {  	(tag) =	ssettag $0x1  }
0x1: {  	s1 =	rddreg [dreg:$0x0]  }
0x2: {  	s7 =	rddreg [dreg:$0x1]  }
0x3: {  	s2 =	rddreg [dreg:$0x2];
	s3 =	srdreg.scid  }
0x4: {  	s0 =	rddreg [dreg:$0x3];
	s4 =	simm.s32 $0x0;
	s15 =	simm.s32 $0x13C00  }
0x5: {  	s16 =	simm.s32 $0x1;
	s17 =	simm.s32 $0x80;
	s18 =	simm.s32 $0x0  }
0x6: {  	s8 =	sand.u32 $0x1, s3;
	s3 =	stileid.u32;
	[smem:$0x7FF] =	sst s4  }
0x7: {  	s5 =	sadd.s32 $0x2A400, s7;
	s6 =	sadd.s32 $0x7BC00, s7;
	s9 =	smul.u32 $0x13C000, s8  }
0x8: {  	s10 =	smul.u32 $0x13C00, s3;
	_ =	strace $0x8000004A;
	s25 =	sshll.u32 s8, $0x4  }
0x9: {  	s11 =	smul.u32 $0x4F000, s3;
	s26 =	ssub.s32 $0x2, s8;
	s28 =	sor.u32 s3, s25  }
0xa: {  	s31 =	sshll.u32 s3, $0x6;
	s8 =	sshrl.u32 s26, $0x1;
	s30 =	smul.u32 $0x500, s28  }
.Ltmp0:
0xb: {  	s9 =	sadd.s32 s10, s9;
	s29 =	sshrl.u32 s11, $0x2;
	(pc) =	sbr.rel .LBB2_1-.Ltmp0, $4  }
0xc: {  	s13 =	ssub.s32 s26, s8;
	s9 =	sshrl.u32 s9, $0x3;
	s14 =	sadd.s32 s29, s2  }
0xd: {  	s11 =	smax.u32 s13, $0x1;
	s13 =	simm.s32 $0x2;
	s12 =	sadd.s32 s9, s7  }
0xe: {  	s7 =	sor.u32 $0x1C02, s31;
	s8 =	sadd.s32 s1, s30;
	s9 =	smul.u32 $0x2800, s28  }
0xf: {  	s10 =	sadd.s32 $0x7C400, s12;
	s12 =	sshrl.u32 s14, $0x3;
	s14 =	simm.s32 $0x14C00  }
.LBB2_6:
0x10: {  	_ =	swait.ge [sflag:s16], $0x4000  }
0x11: {  	[sflag:s16] =	ssyncset.done $0x0  }
0x12: {  	[sflag:s16] =	ssyncadd.s32 $0xFFFFC000  }
0x13: {  	_ =	swait.ge [sflag:s16], $0x4000  }
0x14: {  	[sflag:s16] =	ssyncset.done $0x0  }
0x15: {  	[sflag:s16] =	ssyncadd.s32 $0xFFFFC000  }
0x16: {  	_ =	swait.ge [sflag:s16], $0x4000  }
0x17: {  	[sflag:s16] =	ssyncset.done $0x0  }
0x18: {  	[sflag:s16] =	ssyncadd.s32 $0xFFFFC000  }
0x19: {  	_ =	swait.ge [sflag:s16], $0x4000  }
0x1a: {  	s18 =	sadd.s32 $0x1, s18;
	[sflag:s16] =	ssyncset.done $0x0  }
0x1b: {  	p0 =	sne.s32 s18, s11;
	[sflag:s16] =	ssyncadd.s32 $0xFFFFC000  }
.Ltmp1:
0x1c: {  	[bflag:$0x0] =	sbarrier.arrive $0xFFFF;
	(pc) =	sbr.rel @!p0 .LBB2_7-.Ltmp1, $4  }
0x1d: {  	[hbm:s10], [sflag:s7] =	dma.local [spmem:s12], $0x2780  }
0x1e: {  	_ =	swait.ge [sflag:s13], $0x2780  }
0x1f: {  	[sflag:s13] =	ssyncset.done $0x0  }
0x20: {  	[sflag:s13] =	ssyncadd.s32 $0xFFFFD880  }
.LBB2_1:
0x21: {  	[spmem:s12], [sflag:s7] =	dma.local [hbm:s5], $0x2780  }
0x22: {  	_ =	swait.ge [sflag:s13], $0x2780  }
0x23: {  	[sflag:s13] =	ssyncset.done $0x0  }
0x24: {  	[sflag:s13] =	ssyncadd.s32 $0xFFFFD880  }
0x25: {  	[tilespmem:s14], [sflag:$0x2] =	stream.linear.gather [hbm4b:s6+s4], $0x4000, $0x38;
	[tilespmem:$0x18C00] =	vst v63  }
0x26: {  	_ =	swait.ge [sflag:s13], $0x4000  }
0x27: {  	[sflag:s13] =	ssyncset.done $0x0  }
0x28: {  	[sflag:s13] =	ssyncadd.s32 $0xFFFFC000  }
0x29: {  	[tilespmem:s15], [sflag:$0x2] =	stream.linear.gather [hbm4b:s8+s4], $0x800, $0x38;
	[tilespmem:$0x18C00] =	vst v63  }
0x2a: {  	_ =	swait.ge [sflag:s13], $0x800  }
0x2b: {  	[sflag:s13] =	ssyncset.done $0x0  }
0x2c: {  	p0 =	por $0x0, $0x0;
	[sflag:s13] =	ssyncadd.s32 $0xFFFFF800  }
0x2d: {  	s19 =	simm.s32 $0x0;
	s20 =	simm.s32 $0x0;
	[bflag:$0x0] =	sbarrier.arrive $0xFFFF  }
.LBB2_2:
0x2e: {  	s21 =	simm.s32 $0x1  }
0x2f: {  	s22 =	sadd.s32 $0x0, s19;
	s21 =	simm.s32 @!p0 $0x0  }
0x30: {  	p1 =	slt.u32 s22, $0x4;
	s21 =	sshll.u32 s21, $0xB  }
0x31: {  	s23 =	simm.s32 @!p1 $0x1;
	s21 =	sadd.s32 $0x13C00, s21  }
0x32: {  	[spmem:s2] =	stream.indirect.scatter.add.f32 [tilespmem:s14], [sflag:$0x1], $0x80, s21, s17, $0xb8;
	[tilespmem:$0x18C00] =	vst v63  }
0x33: {  	_ =	swait.ge @!p1 [sflag:s23], $0x4000  }
0x34: {  	s22 =	simm.s32 $0x1;
	[sflag:s23] =	ssyncset.done @!p1 $0x0  }
.LBB2_3:
0x35: {  	[sflag:s23] =	ssyncadd.s32 @!p1 $0xFFFFC000  }
0x36: {  	s21 =	sadd.s32 $0x80, s21;
	s23 =	smov.u32 s22;
	s22 =	sadd.s32 $0x1, s22  }
0x37: {  	[spmem:s2] =	stream.indirect.scatter.add.f32 [tilespmem:s14], [sflag:$0x1], $0x80, s21, s17, $0xb8;
	[tilespmem:$0x18C00] =	vst v63  }
0x38: {  	p2 =	sne.s32 s22, $0x10  }
.Ltmp2:
0x39: {  	s23 =	sadd.s32 s23, s19;
	(pc) =	sbr.rel @p2 .LBB2_3-.Ltmp2, $4  }
0x3a: {  	p1 =	slt.u32 s23, $0x4  }
0x3b: {  	s23 =	simm.s32 @!p1 $0x1  }
0x3c: {  	_ =	swait.ge @!p1 [sflag:s23], $0x4000  }
0x3d: {  	[sflag:s23] =	ssyncset.done @!p1 $0x0  }
0x3e: {  	p2 =	seq.s32 s20, $0x4  }
.Ltmp3:
0x3f: {  	_ = 	snop;
	(pc) =	sbr.rel @p2 .LBB2_6-.Ltmp3, $2  }
0x40: {  	_ =	sdelay $0x2  }
0x41: {  	[sflag:s23] =	ssyncadd.s32 @!p1 $0xFFFFC000  }
0x42: {  	s20 =	sadd.s32 $0x1, s20  }
0x43: {  	s21 =	sshll.u32 s20, $0xB  }
0x44: {  	s22 =	sadd.s32 s9, s21  }
0x45: {  	s21 =	sand.u32 $0x800, s21;
	s22 =	sshrl.u32 s22, $0x3  }
.Ltmp4:
0x46: {  	s21 =	sadd.s32 $0x13C00, s21;
	s22 =	sadd.s32 s1, s22;
	(pc) =	sbr.rel .LBB2_2-.Ltmp4, $4  }
0x47: {  	[tilespmem:s21], [sflag:$0x2] =	stream.linear.gather [hbm4b:s22+s4], $0x800, $0x38;
	[tilespmem:$0x18C00] =	vst v63  }
0x48: {  	_ =	swait.ge [sflag:s13], $0x800  }
0x49: {  	[sflag:s13] =	ssyncset.done $0x0  }
0x4a: {  	p0 =	por !p0, !p0;
	s19 =	sadd.s32 $0x10, s19;
	[sflag:s13] =	ssyncadd.s32 $0xFFFFF800  }
.LBB2_7:
0x4b: {  	_ =	sfence.sel $0x180000  }
0x4c: {  	[bflag:$0x0] =	sbarrier.arrive $0xFFFF  }
0x4d: {  	p0 =	sne.s32 s3, $0x0;
	_ =	strace $0x9000004A  }
0x4e: {  	s0 =	sadd.s32 @!p0 $0x100000, s0;
	[bflag:$0x2] =	sbarrier.arrive $0xFFFF  }
0x4f: {  	[sflag:s0] =	ssyncadd.tile.s32 @!p0 $0x1;
	_ =	shalt  }
.Lfunc_end2:
_tile_overlayer_lowered:
.L_overlay_start_2:
0x50: {  	(tag) =	ssettag $0x2  }
0x51: {  	s0 =	rddreg [dreg:$0x0];
	s2 =	stileid.u32  }
0x52: {  	s1 =	rddreg [dreg:$0x1];
	p0 =	sne.s32 s2, $0x0  }
0x53: {  	s3 =	rddreg [dreg:$0x2];
	[bflag:$0x3] =	sbarrier.arrive $0xFFFF;
	s2 =	simm.s32 @!p0 $0x1C02  }
0x54: {  	[timem:s3], [sflag:s2] =	dma.local @!p0 [hbm:s0], s1  }
0x55: {  	s0 =	simm.s32 @!p0 $0x2  }
0x56: {  	_ =	swait.ge @!p0 [sflag:s0], s1  }
0x57: {  	s1 =	ssub.s32 @!p0 $0x0, s1;
	[sflag:s0] =	ssyncset.done @!p0 $0x0  }
0x58: {  	[sflag:s0] =	ssyncadd.s32 @!p0 s1  }
0x59: {  	[bflag:$0x3] =	sbarrier.arrive $0xFFFF  }
0x5a: {  	_ =	shalt  }

</sc_bundles>
